<compile_context>
chip_gen: v7x
topology: tpu7x:2x2x1
jax: 0.10.2.dev20260603
libtpu: 0.0.44.dev20260713+nightly
codegen_flags: <defaults>
</compile_context>

<pallas_src>
import functools

import jax
import jax.numpy as jnp
from jax import lax
from jax.experimental import pallas as pl
from jax.experimental.pallas import tpu as pltpu
from jax.experimental.pallas import tpu_sc as plsc

N = 10000
D_IN = 128
D_HID = 16
D_OUT = 40

NC, NS, L = 2, 16, 16
NW = NC * NS
CHUNK = 128
NBUF = 2
NDUM = NBUF

HIST_LEN = 10240
ACC_ROWS = 10112
RPT = ACC_ROWS // NS

_MESH = plsc.VectorSubcoreMesh(core_axis_name="c", subcore_axis_name="s")


def _make_deg_kernel(rows16):

    @functools.partial(
        pl.kernel,
        out_type=jax.ShapeDtypeStruct((NW, HIST_LEN), jnp.float32),
        mesh=_MESH,
        scratch_types=[
            pltpu.VMEM((rows16, L), jnp.int32),
            pltpu.VMEM((HIST_LEN,), jnp.float32),
        ],
        compiler_params=pltpu.CompilerParams(needs_layout_passes=False, use_tc_tiling_on_sc=False),
    )
    def deg_kernel(dst_hbm, out_hbm, dstbuf, hist):
        c = lax.axis_index("c")
        s = lax.axis_index("s")
        wid = c * NS + s
        pltpu.sync_copy(dst_hbm.at[wid], dstbuf)

        zero = jnp.zeros((L,), jnp.float32)

        def zbody(i, carry):
            hist[pl.ds(i * L, L)] = zero
            return carry

        lax.fori_loop(0, HIST_LEN // L, zbody, 0)

        ones = jnp.ones((L,), jnp.float32)

        def body(i, carry):
            idx = dstbuf[i]
            plsc.addupdate_scatter(hist, [idx], ones)
            return carry

        lax.fori_loop(0, rows16, body, 0)
        pltpu.sync_copy(hist, out_hbm.at[wid])

    return deg_kernel


def _make_agg_kernel(nblk):

    assert nblk % NBUF == 0

    @functools.partial(
        pl.kernel,
        out_type=jax.ShapeDtypeStruct((NC, ACC_ROWS, D_HID), jnp.float32),
        mesh=_MESH,
        scratch_types=[
            pltpu.VMEM((nblk + NDUM, CHUNK), jnp.int32),
            pltpu.VMEM((nblk + NDUM, CHUNK), jnp.int32),
            *([pltpu.VMEM((CHUNK, D_HID), jnp.float32)] * NBUF),
            pltpu.VMEM((RPT, D_HID), jnp.float32),
            pltpu.VMEM_SHARED((ACC_ROWS, D_HID), jnp.float32),
            *([pltpu.SemaphoreType.DMA] * NBUF),
        ],
        compiler_params=pltpu.CompilerParams(needs_layout_passes=False, use_tc_tiling_on_sc=False),
    )
    def agg_kernel(g_hbm, src_hbm, dst_hbm, out_hbm,
                   srcbuf, dstbuf, *rest):
        rows = list(rest[:NBUF])
        stage = rest[NBUF]
        acc = rest[NBUF + 1]
        sems = list(rest[NBUF + 2:])
        c = lax.axis_index("c")
        s = lax.axis_index("s")
        wid = c * NS + s

        pltpu.sync_copy(src_hbm.at[wid], srcbuf)
        pltpu.sync_copy(dst_hbm.at[wid], dstbuf)

        for b in range(NBUF):
            pltpu.async_copy(g_hbm.at[srcbuf.at[b]], rows[b], sems[b])

        zero = jnp.zeros((L,), jnp.float32)

        def zbody(i, carry):
            stage[i, pl.ds(0, L)] = zero
            return carry

        lax.fori_loop(0, RPT, zbody, 0)
        pltpu.sync_copy(stage, acc.at[pl.ds(s * RPT, RPT)])
        plsc.subcore_barrier()

        def body(p, carry):
            for b in range(NBUF):
                j = p * NBUF + b
                pltpu.make_async_copy(
                    g_hbm.at[srcbuf.at[j]], rows[b], sems[b]).wait()
                pltpu.sync_copy(rows[b], acc.at[dstbuf.at[j]], add=True)
                pltpu.async_copy(
                    g_hbm.at[srcbuf.at[j + NBUF]], rows[b], sems[b])
            return carry

        lax.fori_loop(0, nblk // NBUF, body, 0)

        for b in range(NBUF):
            pltpu.make_async_copy(
                g_hbm.at[srcbuf.at[nblk + b]], rows[b], sems[b]).wait()

        plsc.subcore_barrier()
        pltpu.sync_copy(acc.at[pl.ds(s * RPT, RPT)], stage)
        pltpu.sync_copy(stage, out_hbm.at[c, pl.ds(s * RPT, RPT)])

    return agg_kernel


def _tca_body(hist_ref, x_ref, w1_ref, dinv_ref, g1_ref):
    deg = jnp.sum(hist_ref[...], axis=0) + 1.0
    dinv = lax.rsqrt(deg)[:N, None]
    dinv_ref[...] = dinv
    h = jnp.dot(x_ref[...], w1_ref[...], preferred_element_type=jnp.float32)
    g1_ref[...] = h * dinv


def _tcb_body(dinv_ref, s1_ref, g1_ref, b1_ref, u_ref):
    dinv = dinv_ref[...]
    z = (s1_ref[0, :N] + s1_ref[1, :N] + g1_ref[...]) * dinv + b1_ref[...]
    u_ref[...] = jnp.maximum(z, 0.0) * dinv


def _tcc_body(dinv_ref, s2_ref, u_ref, w2_ref, b2_ref, out_ref):
    y = s2_ref[0, :N] + s2_ref[1, :N] + u_ref[...]
    z = jnp.dot(y, w2_ref[...], preferred_element_type=jnp.float32)
    logits = z * dinv_ref[...] + b2_ref[...]
    m = jnp.max(logits, axis=1, keepdims=True)
    lse = jnp.log(jnp.sum(jnp.exp(logits - m), axis=1, keepdims=True)) + m
    out_ref[...] = logits - lse


def _tc_a(hist, x, w1):
    return pl.pallas_call(
        _tca_body,
        out_shape=(jax.ShapeDtypeStruct((N, 1), jnp.float32),
                   jax.ShapeDtypeStruct((N, D_HID), jnp.float32)),
    )(hist, x, w1)


def _tc_b(dinv, s1, g1, b1):
    return pl.pallas_call(
        _tcb_body,
        out_shape=jax.ShapeDtypeStruct((N, D_HID), jnp.float32),
    )(dinv, s1, g1, b1)


def _tc_c(dinv, s2, u, w2, b2):
    return pl.pallas_call(
        _tcc_body,
        out_shape=jax.ShapeDtypeStruct((N, D_OUT), jnp.float32),
    )(dinv, s2, u, w2, b2)


def kernel(x, edge_index, W1, b1, W2, b2):
    e = edge_index.shape[1]
    nblk = -(-e // (NW * CHUNK))
    nblk += (-nblk) % NBUF
    e_pad = NW * nblk * CHUNK
    rows16 = (nblk * CHUNK) // L

    src_flat = jnp.concatenate(
        [edge_index[0], jnp.zeros((e_pad - e,), jnp.int32)])
    dst_flat = jnp.concatenate(
        [edge_index[1], jnp.full((e_pad - e,), N, jnp.int32)])
    src = jnp.concatenate(
        [src_flat.reshape(NW, nblk, CHUNK),
         jnp.zeros((NW, NDUM, CHUNK), jnp.int32)], axis=1)
    dst = jnp.concatenate(
        [dst_flat.reshape(NW, nblk, CHUNK),
         jnp.full((NW, NDUM, CHUNK), N, jnp.int32)], axis=1)
    dst_deg = dst_flat.reshape(NW, rows16, L)

    hist = _make_deg_kernel(rows16)(dst_deg)
    dinv, g1 = _tc_a(hist, x, W1)

    agg = _make_agg_kernel(nblk)
    s1 = agg(g1, src, dst)
    u = _tc_b(dinv, s1, g1, b1.reshape(1, D_HID))

    s2 = agg(u, src, dst)
    return _tc_c(dinv, s2, u, W2, b2.reshape(1, D_OUT))

# --- scband reference (transcript-rebuilt; emitter-appended) ---
"""Pipeline reference for scband-gcn-90357521973461 (READ-ONLY COPY).

The authoritative reference and input builder live on the scoring server;
editing this copy changes nothing except your own understanding.
"""

import jax, jax.numpy as jnp
import numpy as np

N = 10000
E = 320000
D_IN = 128
D_HID = 16
D_OUT = 40


def setup_inputs(seed: int = 0) -> dict:
    key = jax.random.key(seed)
    k1, k2, k3, k4, k5, k6 = jax.random.split(key, 6)
    x = jax.random.normal(k1, (N, D_IN), dtype=jnp.float32)
    edge_index = jax.random.randint(k2, (2, E), 0, N, dtype=jnp.int32)
    W1 = jax.random.normal(k3, (D_IN, D_HID), dtype=jnp.float32) * (1.0 / np.sqrt(D_IN))
    b1 = jnp.zeros((D_HID,), dtype=jnp.float32)
    W2 = jax.random.normal(k4, (D_HID, D_OUT), dtype=jnp.float32) * (1.0 / np.sqrt(D_HID))
    b2 = jnp.zeros((D_OUT,), dtype=jnp.float32)
    return {"x": x, "edge_index": edge_index, "W1": W1, "b1": b1, "W2": W2, "b2": b2}


def _gcn_conv(x, edge_index, W, b):
    # Faithful PyG GCNConv: add self-loops, symmetric deg^{-1/2} normalization,
    # linear transform, scatter-add aggregation over dst nodes, then bias.
    src = edge_index[0]
    dst = edge_index[1]
    loop = jnp.arange(N, dtype=src.dtype)
    src = jnp.concatenate([src, loop])
    dst = jnp.concatenate([dst, loop])
    h = x @ W
    ones = jnp.ones(src.shape[0], dtype=x.dtype)
    deg = jax.ops.segment_sum(ones, dst, num_segments=N)
    deg_inv_sqrt = jnp.where(deg > 0, jax.lax.rsqrt(jnp.maximum(deg, 1e-12)), 0.0)
    norm = deg_inv_sqrt[src] * deg_inv_sqrt[dst]
    msgs = h[src] * norm[:, None]
    out = jax.ops.segment_sum(msgs, dst, num_segments=N)
    return out + b


def reference(x, edge_index, W1, b1, W2, b2):
    h = _gcn_conv(x, edge_index, W1, b1)
    h = jax.nn.relu(h)
    # F.dropout(training=self.training): module evaluated in eval mode -> identity
    h = _gcn_conv(h, edge_index, W2, b2)
    return jax.nn.log_softmax(h, axis=1)

if __name__ == "__main__":
    import jax
    _d = setup_inputs()
    print(jax.jit(kernel)(*tuple(_d.values())))

</pallas_src>

<mosaic_0001>
#map = affine_map<(d0, d1) -> (0, 0, 0)>
#map1 = affine_map<(d0, d1) -> (0, 0)>
module attributes {stable_mosaic.version = 14 : i64} {
  func.func @deg_kernel(%arg0: i32, %arg1: i32, %arg2: memref<32x640x16xi32, #tpu.memory_space<hbm>>, %arg3: memref<32x10240xf32, #tpu.memory_space<hbm>>, %arg4: memref<640x16xi32, #tpu.memory_space<vmem>>, %arg5: memref<10240xf32, #tpu.memory_space<vmem>>) attributes {dimension_semantics = [#tpu.dimension_semantics<core_parallel>, #tpu.dimension_semantics<subcore_parallel>], iteration_bounds = array<i64: 2, 16>, scalar_prefetch = 0 : i64, scratch_operands = 2 : i64, tpu.core_type = #tpu.core_type<sc_vector_subcore>, window_params = [{transform_indices = #map}, {transform_indices = #map1}]} {
    %mul3A = arith.constant 16 : i32
    %mul3A_0 = arith.muli %arg0, %mul3A : i32
    %add3A = arith.addi %mul3A_0, %arg1 : i32
    "tpu.region"() ({
      %run_scoped3A = tpu.sem_alloc : memref<!tpu.dma_semaphore, #tpu.memory_space<semaphore_mem>>
      %dma_start3A = arith.constant 0 : i32
      %dma_start3A_15 = arith.constant 0 : i32
      %dma_start3A_16 = tpu.memref_slice %arg2[%add3A, %dma_start3A, %dma_start3A_15] : memref<32x640x16xi32, #tpu.memory_space<hbm>> -> memref<1x640x16xi32, #tpu.memory_space<hbm>>
      %dma_start3A_17 = tpu.memref_squeeze %dma_start3A_16 : memref<1x640x16xi32, #tpu.memory_space<hbm>> -> memref<640x16xi32, #tpu.memory_space<hbm>>
      %dma_start3A_18 = arith.constant 0 : i32
      %dma_start3A_19 = arith.constant 0 : i32
      %dma_start3A_20 = tpu.memref_slice %arg2[%add3A, %dma_start3A_18, %dma_start3A_19] : memref<32x640x16xi32, #tpu.memory_space<hbm>> -> memref<1x640x16xi32, #tpu.memory_space<hbm>>
      %dma_start3A_21 = tpu.memref_squeeze %dma_start3A_20 : memref<1x640x16xi32, #tpu.memory_space<hbm>> -> memref<640x16xi32, #tpu.memory_space<hbm>>
      tpu.enqueue_dma source(%dma_start3A_21 : memref<640x16xi32, #tpu.memory_space<hbm>>) target(%arg4 : memref<640x16xi32, #tpu.memory_space<vmem>>) target_semaphore(%run_scoped3A : memref<!tpu.dma_semaphore, #tpu.memory_space<semaphore_mem>>)
      %dma_wait3A = arith.constant 0 : i32
      %dma_wait3A_22 = arith.constant 0 : i32
      %dma_wait3A_23 = tpu.memref_slice %arg2[%add3A, %dma_wait3A, %dma_wait3A_22] : memref<32x640x16xi32, #tpu.memory_space<hbm>> -> memref<1x640x16xi32, #tpu.memory_space<hbm>>
      %dma_wait3A_24 = tpu.memref_squeeze %dma_wait3A_23 : memref<1x640x16xi32, #tpu.memory_space<hbm>> -> memref<640x16xi32, #tpu.memory_space<hbm>>
      %dma_wait3A_25 = arith.constant 0 : i32
      %dma_wait3A_26 = arith.constant 0 : i32
      %dma_wait3A_27 = tpu.memref_slice %arg2[%add3A, %dma_wait3A_25, %dma_wait3A_26] : memref<32x640x16xi32, #tpu.memory_space<hbm>> -> memref<1x640x16xi32, #tpu.memory_space<hbm>>
      %dma_wait3A_28 = tpu.memref_squeeze %dma_wait3A_27 : memref<1x640x16xi32, #tpu.memory_space<hbm>> -> memref<640x16xi32, #tpu.memory_space<hbm>>
      tpu.wait_dma2 semaphore(%run_scoped3A : memref<!tpu.dma_semaphore, #tpu.memory_space<semaphore_mem>>) src(%dma_wait3A_28 : memref<640x16xi32, #tpu.memory_space<hbm>>) dst(%arg4 : memref<640x16xi32, #tpu.memory_space<vmem>>)
      tpu.yield
    }) : () -> ()
    %broadcast_in_dim3A = arith.constant 0.000000e+00 : f32
    %broadcast_in_dim3A_1 = vector.broadcast %broadcast_in_dim3A : f32 to vector<16xf32>
    %scan3A = arith.constant 0 : i32
    %scan3A_2 = arith.constant 0 : i32
    %scan3A_3 = arith.constant 640 : i32
    %scan3A_4 = arith.addi %scan3A_2, %scan3A_3 : i32
    %scan3A_5 = arith.constant 1 : i32
    scf.for %scan3A_15 = %scan3A_2 to %scan3A_4 step %scan3A_5  : i32 {
      %mul3A_16 = arith.constant 16 : i32
      %mul3A_17 = arith.muli %scan3A_15, %mul3A_16 : i32
      %swap3A = arith.index_cast %mul3A_17 : i32 to index
      %swap3A_18 = tpu.vector_load %arg5[%swap3A] {strides = array<i32>} : memref<10240xf32, #tpu.memory_space<vmem>>, vector<16xf32>,
      tpu.vector_store %arg5[%swap3A], %broadcast_in_dim3A_1 {strides = array<i32>} : memref<10240xf32, #tpu.memory_space<vmem>>, vector<16xf32>,
    }
    %scan3A_6 = arith.constant 640 : i32
    %broadcast_in_dim3A_7 = arith.constant 1.000000e+00 : f32
    %broadcast_in_dim3A_8 = vector.broadcast %broadcast_in_dim3A_7 : f32 to vector<16xf32>
    %scan3A_9 = arith.constant 0 : i32
    %scan3A_10 = arith.constant 0 : i32
    %scan3A_11 = arith.constant 640 : i32
    %scan3A_12 = arith.addi %scan3A_10, %scan3A_11 : i32
    %scan3A_13 = arith.constant 1 : i32
    scf.for %scan3A_15 = %scan3A_10 to %scan3A_12 step %scan3A_13  : i32 {
      %get3A = arith.index_cast %scan3A_15 : i32 to index
      %get3A_16 = arith.constant 0 : index
      %get3A_17 = tpu.vector_load %arg4[%get3A, %get3A_16] {strides = array<i32>} : memref<640x16xi32, #tpu.memory_space<vmem>>, vector<16xi32>,
      tpu.vector_store_idx %arg5[%get3A_17], %broadcast_in_dim3A_8 {add = true} : memref<10240xf32, #tpu.memory_space<vmem>>[vector<16xi32>], vector<16xf32>,
    }
    %scan3A_14 = arith.constant 640 : i32
    "tpu.region"() ({
      %run_scoped3A = tpu.sem_alloc : memref<!tpu.dma_semaphore, #tpu.memory_space<semaphore_mem>>
      %dma_start3A = arith.constant 0 : i32
      %dma_start3A_15 = tpu.memref_slice %arg3[%add3A, %dma_start3A] : memref<32x10240xf32, #tpu.memory_space<hbm>> -> memref<1x10240xf32, #tpu.memory_space<hbm>>
      %dma_start3A_16 = tpu.memref_squeeze %dma_start3A_15 : memref<1x10240xf32, #tpu.memory_space<hbm>> -> memref<10240xf32, #tpu.memory_space<hbm>>
      %dma_start3A_17 = arith.constant 0 : i32
      %dma_start3A_18 = tpu.memref_slice %arg3[%add3A, %dma_start3A_17] : memref<32x10240xf32, #tpu.memory_space<hbm>> -> memref<1x10240xf32, #tpu.memory_space<hbm>>
      %dma_start3A_19 = tpu.memref_squeeze %dma_start3A_18 : memref<1x10240xf32, #tpu.memory_space<hbm>> -> memref<10240xf32, #tpu.memory_space<hbm>>
      tpu.enqueue_dma source(%arg5 : memref<10240xf32, #tpu.memory_space<vmem>>) target(%dma_start3A_19 : memref<10240xf32, #tpu.memory_space<hbm>>) target_semaphore(%run_scoped3A : memref<!tpu.dma_semaphore, #tpu.memory_space<semaphore_mem>>)
      %dma_wait3A = arith.constant 0 : i32
      %dma_wait3A_20 = tpu.memref_slice %arg3[%add3A, %dma_wait3A] : memref<32x10240xf32, #tpu.memory_space<hbm>> -> memref<1x10240xf32, #tpu.memory_space<hbm>>
      %dma_wait3A_21 = tpu.memref_squeeze %dma_wait3A_20 : memref<1x10240xf32, #tpu.memory_space<hbm>> -> memref<10240xf32, #tpu.memory_space<hbm>>
      %dma_wait3A_22 = arith.constant 0 : i32
      %dma_wait3A_23 = tpu.memref_slice %arg3[%add3A, %dma_wait3A_22] : memref<32x10240xf32, #tpu.memory_space<hbm>> -> memref<1x10240xf32, #tpu.memory_space<hbm>>
      %dma_wait3A_24 = tpu.memref_squeeze %dma_wait3A_23 : memref<1x10240xf32, #tpu.memory_space<hbm>> -> memref<10240xf32, #tpu.memory_space<hbm>>
      tpu.wait_dma2 semaphore(%run_scoped3A : memref<!tpu.dma_semaphore, #tpu.memory_space<semaphore_mem>>) src(%arg5 : memref<10240xf32, #tpu.memory_space<vmem>>) dst(%dma_wait3A_24 : memref<10240xf32, #tpu.memory_space<hbm>>)
      tpu.yield
    }) : () -> ()
    return
  }
}

#map = affine_map<(d0, d1) -> (0, 0)>
#map1 = affine_map<(d0, d1) -> (0, 0, 0)>
module attributes {stable_mosaic.version = 14 : i64} {
  func.func @agg_kernel(%arg0: i32, %arg1: i32, %arg2: memref<10000x16xf32, #tpu.memory_space<hbm>>, %arg3: memref<32x82x128xi32, #tpu.memory_space<hbm>>, %arg4: memref<32x82x128xi32, #tpu.memory_space<hbm>>, %arg5: memref<2x10112x16xf32, #tpu.memory_space<hbm>>, %arg6: memref<82x128xi32, #tpu.memory_space<vmem>>, %arg7: memref<82x128xi32, #tpu.memory_space<vmem>>, %arg8: memref<128x16xf32, #tpu.memory_space<vmem>>, %arg9: memref<128x16xf32, #tpu.memory_space<vmem>>, %arg10: memref<632x16xf32, #tpu.memory_space<vmem>>, %arg11: memref<10112x16xf32, #tpu.memory_space<vmem_shared>>, %arg12: memref<!tpu.dma_semaphore, #tpu.memory_space<semaphore_mem>>, %arg13: memref<!tpu.dma_semaphore, #tpu.memory_space<semaphore_mem>>) attributes {dimension_semantics = [#tpu.dimension_semantics<core_parallel>, #tpu.dimension_semantics<subcore_parallel>], iteration_bounds = array<i64: 2, 16>, scalar_prefetch = 0 : i64, scratch_operands = 8 : i64, tpu.core_type = #tpu.core_type<sc_vector_subcore>, window_params = [{transform_indices = #map}, {transform_indices = #map1}, {transform_indices = #map1}, {transform_indices = #map1}]} {
    %mul3A = arith.constant 16 : i32
    %mul3A_0 = arith.muli %arg0, %mul3A : i32
    %add3A = arith.addi %mul3A_0, %arg1 : i32
    "tpu.region"() ({
      %run_scoped3A = tpu.sem_alloc : memref<!tpu.dma_semaphore, #tpu.memory_space<semaphore_mem>>
      %dma_start3A_46 = arith.constant 0 : i32
      %dma_start3A_47 = arith.constant 0 : i32
      %dma_start3A_48 = tpu.memref_slice %arg3[%add3A, %dma_start3A_46, %dma_start3A_47] : memref<32x82x128xi32, #tpu.memory_space<hbm>> -> memref<1x82x128xi32, #tpu.memory_space<hbm>>
      %dma_start3A_49 = tpu.memref_squeeze %dma_start3A_48 : memref<1x82x128xi32, #tpu.memory_space<hbm>> -> memref<82x128xi32, #tpu.memory_space<hbm>>
      %dma_start3A_50 = arith.constant 0 : i32
      %dma_start3A_51 = arith.constant 0 : i32
      %dma_start3A_52 = tpu.memref_slice %arg3[%add3A, %dma_start3A_50, %dma_start3A_51] : memref<32x82x128xi32, #tpu.memory_space<hbm>> -> memref<1x82x128xi32, #tpu.memory_space<hbm>>
      %dma_start3A_53 = tpu.memref_squeeze %dma_start3A_52 : memref<1x82x128xi32, #tpu.memory_space<hbm>> -> memref<82x128xi32, #tpu.memory_space<hbm>>
      tpu.enqueue_dma source(%dma_start3A_53 : memref<82x128xi32, #tpu.memory_space<hbm>>) target(%arg6 : memref<82x128xi32, #tpu.memory_space<vmem>>) target_semaphore(%run_scoped3A : memref<!tpu.dma_semaphore, #tpu.memory_space<semaphore_mem>>)
      %dma_wait3A_54 = arith.constant 0 : i32
      %dma_wait3A_55 = arith.constant 0 : i32
      %dma_wait3A_56 = tpu.memref_slice %arg3[%add3A, %dma_wait3A_54, %dma_wait3A_55] : memref<32x82x128xi32, #tpu.memory_space<hbm>> -> memref<1x82x128xi32, #tpu.memory_space<hbm>>
      %dma_wait3A_57 = tpu.memref_squeeze %dma_wait3A_56 : memref<1x82x128xi32, #tpu.memory_space<hbm>> -> memref<82x128xi32, #tpu.memory_space<hbm>>
      %dma_wait3A_58 = arith.constant 0 : i32
      %dma_wait3A_59 = arith.constant 0 : i32
      %dma_wait3A_60 = tpu.memref_slice %arg3[%add3A, %dma_wait3A_58, %dma_wait3A_59] : memref<32x82x128xi32, #tpu.memory_space<hbm>> -> memref<1x82x128xi32, #tpu.memory_space<hbm>>
      %dma_wait3A_61 = tpu.memref_squeeze %dma_wait3A_60 : memref<1x82x128xi32, #tpu.memory_space<hbm>> -> memref<82x128xi32, #tpu.memory_space<hbm>>
      tpu.wait_dma2 semaphore(%run_scoped3A : memref<!tpu.dma_semaphore, #tpu.memory_space<semaphore_mem>>) src(%dma_wait3A_61 : memref<82x128xi32, #tpu.memory_space<hbm>>) dst(%arg6 : memref<82x128xi32, #tpu.memory_space<vmem>>)
      tpu.yield
    }) : () -> ()
    "tpu.region"() ({
      %run_scoped3A = tpu.sem_alloc : memref<!tpu.dma_semaphore, #tpu.memory_space<semaphore_mem>>
      %dma_start3A_46 = arith.constant 0 : i32
      %dma_start3A_47 = arith.constant 0 : i32
      %dma_start3A_48 = tpu.memref_slice %arg4[%add3A, %dma_start3A_46, %dma_start3A_47] : memref<32x82x128xi32, #tpu.memory_space<hbm>> -> memref<1x82x128xi32, #tpu.memory_space<hbm>>
      %dma_start3A_49 = tpu.memref_squeeze %dma_start3A_48 : memref<1x82x128xi32, #tpu.memory_space<hbm>> -> memref<82x128xi32, #tpu.memory_space<hbm>>
      %dma_start3A_50 = arith.constant 0 : i32
      %dma_start3A_51 = arith.constant 0 : i32
      %dma_start3A_52 = tpu.memref_slice %arg4[%add3A, %dma_start3A_50, %dma_start3A_51] : memref<32x82x128xi32, #tpu.memory_space<hbm>> -> memref<1x82x128xi32, #tpu.memory_space<hbm>>
      %dma_start3A_53 = tpu.memref_squeeze %dma_start3A_52 : memref<1x82x128xi32, #tpu.memory_space<hbm>> -> memref<82x128xi32, #tpu.memory_space<hbm>>
      tpu.enqueue_dma source(%dma_start3A_53 : memref<82x128xi32, #tpu.memory_space<hbm>>) target(%arg7 : memref<82x128xi32, #tpu.memory_space<vmem>>) target_semaphore(%run_scoped3A : memref<!tpu.dma_semaphore, #tpu.memory_space<semaphore_mem>>)
      %dma_wait3A_54 = arith.constant 0 : i32
      %dma_wait3A_55 = arith.constant 0 : i32
      %dma_wait3A_56 = tpu.memref_slice %arg4[%add3A, %dma_wait3A_54, %dma_wait3A_55] : memref<32x82x128xi32, #tpu.memory_space<hbm>> -> memref<1x82x128xi32, #tpu.memory_space<hbm>>
      %dma_wait3A_57 = tpu.memref_squeeze %dma_wait3A_56 : memref<1x82x128xi32, #tpu.memory_space<hbm>> -> memref<82x128xi32, #tpu.memory_space<hbm>>
      %dma_wait3A_58 = arith.constant 0 : i32
      %dma_wait3A_59 = arith.constant 0 : i32
      %dma_wait3A_60 = tpu.memref_slice %arg4[%add3A, %dma_wait3A_58, %dma_wait3A_59] : memref<32x82x128xi32, #tpu.memory_space<hbm>> -> memref<1x82x128xi32, #tpu.memory_space<hbm>>
      %dma_wait3A_61 = tpu.memref_squeeze %dma_wait3A_60 : memref<1x82x128xi32, #tpu.memory_space<hbm>> -> memref<82x128xi32, #tpu.memory_space<hbm>>
      tpu.wait_dma2 semaphore(%run_scoped3A : memref<!tpu.dma_semaphore, #tpu.memory_space<semaphore_mem>>) src(%dma_wait3A_61 : memref<82x128xi32, #tpu.memory_space<hbm>>) dst(%arg7 : memref<82x128xi32, #tpu.memory_space<vmem>>)
      tpu.yield
    }) : () -> ()
    %dma_start3A = arith.constant 0 : i32
    %dma_start3A_1 = arith.constant 0 : i32
    %dma_start3A_2 = tpu.memref_slice %arg6[%dma_start3A, %dma_start3A_1] : memref<82x128xi32, #tpu.memory_space<vmem>> -> memref<1x128xi32, #tpu.memory_space<vmem>>
    %dma_start3A_3 = tpu.memref_squeeze %dma_start3A_2 : memref<1x128xi32, #tpu.memory_space<vmem>> -> memref<128xi32, #tpu.memory_space<vmem>>
    %dma_start3A_4 = arith.constant 0 : i32
    %dma_start3A_5 = arith.constant 0 : i32
    %dma_start3A_6 = tpu.memref_slice %arg2[%dma_start3A_4, %dma_start3A_5] : memref<10000x16xf32, #tpu.memory_space<hbm>> -> memref<10000x16xf32, #tpu.memory_space<hbm>>
    tpu.enqueue_indirect_dma source(%dma_start3A_6 : memref<10000x16xf32, #tpu.memory_space<hbm>>) target(%arg8 : memref<128x16xf32, #tpu.memory_space<vmem>>) offsets(%dma_start3A_3 : memref<128xi32, #tpu.memory_space<vmem>>) semaphore(%arg12 : memref<!tpu.dma_semaphore, #tpu.memory_space<semaphore_mem>>)
    %dma_start3A_7 = arith.constant 1 : i32
    %dma_start3A_8 = arith.constant 0 : i32
    %dma_start3A_9 = tpu.memref_slice %arg6[%dma_start3A_7, %dma_start3A_8] : memref<82x128xi32, #tpu.memory_space<vmem>> -> memref<1x128xi32, #tpu.memory_space<vmem>>
    %dma_start3A_10 = tpu.memref_squeeze %dma_start3A_9 : memref<1x128xi32, #tpu.memory_space<vmem>> -> memref<128xi32, #tpu.memory_space<vmem>>
    %dma_start3A_11 = arith.constant 0 : i32
    %dma_start3A_12 = arith.constant 0 : i32
    %dma_start3A_13 = tpu.memref_slice %arg2[%dma_start3A_11, %dma_start3A_12] : memref<10000x16xf32, #tpu.memory_space<hbm>> -> memref<10000x16xf32, #tpu.memory_space<hbm>>
    tpu.enqueue_indirect_dma source(%dma_start3A_13 : memref<10000x16xf32, #tpu.memory_space<hbm>>) target(%arg9 : memref<128x16xf32, #tpu.memory_space<vmem>>) offsets(%dma_start3A_10 : memref<128xi32, #tpu.memory_space<vmem>>) semaphore(%arg13 : memref<!tpu.dma_semaphore, #tpu.memory_space<semaphore_mem>>)
    %broadcast_in_dim3A = arith.constant 0.000000e+00 : f32
    %broadcast_in_dim3A_14 = vector.broadcast %broadcast_in_dim3A : f32 to vector<16xf32>
    %scan3A = arith.constant 0 : i32
    %scan3A_15 = arith.constant 0 : i32
    %scan3A_16 = arith.constant 632 : i32
    %scan3A_17 = arith.addi %scan3A_15, %scan3A_16 : i32
    %scan3A_18 = arith.constant 1 : i32
    scf.for %scan3A_46 = %scan3A_15 to %scan3A_17 step %scan3A_18  : i32 {
      %swap3A = arith.index_cast %scan3A_46 : i32 to index
      %swap3A_47 = arith.constant 0 : index
      %swap3A_48 = tpu.vector_load %arg10[%swap3A, %swap3A_47] {strides = array<i32>} : memref<632x16xf32, #tpu.memory_space<vmem>>, vector<16xf32>,
      tpu.vector_store %arg10[%swap3A, %swap3A_47], %broadcast_in_dim3A_14 {strides = array<i32>} : memref<632x16xf32, #tpu.memory_space<vmem>>, vector<16xf32>,
    }
    %scan3A_19 = arith.constant 632 : i32
    %mul3A_20 = arith.constant 632 : i32
    %mul3A_21 = arith.muli %arg1, %mul3A_20 : i32
    "tpu.region"() ({
      %run_scoped3A = tpu.sem_alloc : memref<!tpu.dma_semaphore, #tpu.memory_space<semaphore_mem>>
      %dma_start3A_46 = arith.constant 0 : i32
      %dma_start3A_47 = tpu.memref_slice %arg11[%mul3A_21, %dma_start3A_46] : memref<10112x16xf32, #tpu.memory_space<vmem_shared>> -> memref<632x16xf32, #tpu.memory_space<vmem_shared>>
      %dma_start3A_48 = arith.constant 0 : i32
      %dma_start3A_49 = tpu.memref_slice %arg11[%mul3A_21, %dma_start3A_48] : memref<10112x16xf32, #tpu.memory_space<vmem_shared>> -> memref<632x16xf32, #tpu.memory_space<vmem_shared>>
      tpu.enqueue_dma source(%arg10 : memref<632x16xf32, #tpu.memory_space<vmem>>) target(%dma_start3A_49 : memref<632x16xf32, #tpu.memory_space<vmem_shared>>) target_semaphore(%run_scoped3A : memref<!tpu.dma_semaphore, #tpu.memory_space<semaphore_mem>>)
      %dma_wait3A_50 = arith.constant 0 : i32
      %dma_wait3A_51 = tpu.memref_slice %arg11[%mul3A_21, %dma_wait3A_50] : memref<10112x16xf32, #tpu.memory_space<vmem_shared>> -> memref<632x16xf32, #tpu.memory_space<vmem_shared>>
      %dma_wait3A_52 = arith.constant 0 : i32
      %dma_wait3A_53 = tpu.memref_slice %arg11[%mul3A_21, %dma_wait3A_52] : memref<10112x16xf32, #tpu.memory_space<vmem_shared>> -> memref<632x16xf32, #tpu.memory_space<vmem_shared>>
      tpu.wait_dma2 semaphore(%run_scoped3A : memref<!tpu.dma_semaphore, #tpu.memory_space<semaphore_mem>>) src(%arg10 : memref<632x16xf32, #tpu.memory_space<vmem>>) dst(%dma_wait3A_53 : memref<632x16xf32, #tpu.memory_space<vmem_shared>>)
      tpu.yield
    }) : () -> ()
    %barrier3A = arith.constant 0 : index
    tpu.barrier barrier_id(%barrier3A)
    %scan3A_22 = arith.constant 0 : i32
    %scan3A_23 = arith.constant 0 : i32
    %scan3A_24 = arith.constant 40 : i32
    %scan3A_25 = arith.addi %scan3A_23, %scan3A_24 : i32
    %scan3A_26 = arith.constant 1 : i32
    scf.for %scan3A_46 = %scan3A_23 to %scan3A_25 step %scan3A_26  : i32 {
      %mul3A_47 = arith.constant 2 : i32
      %mul3A_48 = arith.muli %scan3A_46, %mul3A_47 : i32
      %add3A_49 = arith.constant 0 : i32
      %add3A_50 = arith.addi %mul3A_48, %add3A_49 : i32
      %dma_wait3A_51 = arith.constant 0 : i32
      %dma_wait3A_52 = tpu.memref_slice %arg6[%add3A_50, %dma_wait3A_51] : memref<82x128xi32, #tpu.memory_space<vmem>> -> memref<1x128xi32, #tpu.memory_space<vmem>>
      %dma_wait3A_53 = tpu.memref_squeeze %dma_wait3A_52 : memref<1x128xi32, #tpu.memory_space<vmem>> -> memref<128xi32, #tpu.memory_space<vmem>>
      %dma_wait3A_54 = arith.constant 0 : i32
      %dma_wait3A_55 = arith.constant 0 : i32
      %dma_wait3A_56 = tpu.memref_slice %arg2[%dma_wait3A_54, %dma_wait3A_55] : memref<10000x16xf32, #tpu.memory_space<hbm>> -> memref<10000x16xf32, #tpu.memory_space<hbm>>
      tpu.wait_indirect_dma semaphore(%arg12 : memref<!tpu.dma_semaphore, #tpu.memory_space<semaphore_mem>>) src(%dma_wait3A_56 : memref<10000x16xf32, #tpu.memory_space<hbm>>) dst(%arg8 : memref<128x16xf32, #tpu.memory_space<vmem>>)
      "tpu.region"() ({
        %run_scoped3A = tpu.sem_alloc : memref<!tpu.dma_semaphore, #tpu.memory_space<semaphore_mem>>
        %dma_start3A_83 = arith.constant 0 : i32
        %dma_start3A_84 = tpu.memref_slice %arg7[%add3A_50, %dma_start3A_83] : memref<82x128xi32, #tpu.memory_space<vmem>> -> memref<1x128xi32, #tpu.memory_space<vmem>>
        %dma_start3A_85 = tpu.memref_squeeze %dma_start3A_84 : memref<1x128xi32, #tpu.memory_space<vmem>> -> memref<128xi32, #tpu.memory_space<vmem>>
        %dma_start3A_86 = arith.constant 0 : i32
        %dma_start3A_87 = arith.constant 0 : i32
        %dma_start3A_88 = tpu.memref_slice %arg11[%dma_start3A_86, %dma_start3A_87] : memref<10112x16xf32, #tpu.memory_space<vmem_shared>> -> memref<10112x16xf32, #tpu.memory_space<vmem_shared>>
        tpu.enqueue_indirect_dma source(%arg8 : memref<128x16xf32, #tpu.memory_space<vmem>>) target(%dma_start3A_88 : memref<10112x16xf32, #tpu.memory_space<vmem_shared>>) offsets(%dma_start3A_85 : memref<128xi32, #tpu.memory_space<vmem>>) semaphore(%run_scoped3A : memref<!tpu.dma_semaphore, #tpu.memory_space<semaphore_mem>>) {add = true}
        %dma_wait3A_89 = arith.constant 0 : i32
        %dma_wait3A_90 = tpu.memref_slice %arg7[%add3A_50, %dma_wait3A_89] : memref<82x128xi32, #tpu.memory_space<vmem>> -> memref<1x128xi32, #tpu.memory_space<vmem>>
        %dma_wait3A_91 = tpu.memref_squeeze %dma_wait3A_90 : memref<1x128xi32, #tpu.memory_space<vmem>> -> memref<128xi32, #tpu.memory_space<vmem>>
        %dma_wait3A_92 = arith.constant 0 : i32
        %dma_wait3A_93 = arith.constant 0 : i32
        %dma_wait3A_94 = tpu.memref_slice %arg11[%dma_wait3A_92, %dma_wait3A_93] : memref<10112x16xf32, #tpu.memory_space<vmem_shared>> -> memref<10112x16xf32, #tpu.memory_space<vmem_shared>>
        tpu.wait_indirect_dma semaphore(%run_scoped3A : memref<!tpu.dma_semaphore, #tpu.memory_space<semaphore_mem>>) src(%arg8 : memref<128x16xf32, #tpu.memory_space<vmem>>) dst(%dma_wait3A_94 : memref<10112x16xf32, #tpu.memory_space<vmem_shared>>)
        tpu.yield
      }) : () -> ()
      %add3A_57 = arith.constant 2 : i32
      %add3A_58 = arith.addi %add3A_50, %add3A_57 : i32
      %dma_start3A_59 = arith.constant 0 : i32
      %dma_start3A_60 = tpu.memref_slice %arg6[%add3A_58, %dma_start3A_59] : memref<82x128xi32, #tpu.memory_space<vmem>> -> memref<1x128xi32, #tpu.memory_space<vmem>>
      %dma_start3A_61 = tpu.memref_squeeze %dma_start3A_60 : memref<1x128xi32, #tpu.memory_space<vmem>> -> memref<128xi32, #tpu.memory_space<vmem>>
      %dma_start3A_62 = arith.constant 0 : i32
      %dma_start3A_63 = arith.constant 0 : i32
      %dma_start3A_64 = tpu.memref_slice %arg2[%dma_start3A_62, %dma_start3A_63] : memref<10000x16xf32, #tpu.memory_space<hbm>> -> memref<10000x16xf32, #tpu.memory_space<hbm>>
      tpu.enqueue_indirect_dma source(%dma_start3A_64 : memref<10000x16xf32, #tpu.memory_space<hbm>>) target(%arg8 : memref<128x16xf32, #tpu.memory_space<vmem>>) offsets(%dma_start3A_61 : memref<128xi32, #tpu.memory_space<vmem>>) semaphore(%arg12 : memref<!tpu.dma_semaphore, #tpu.memory_space<semaphore_mem>>)
      %mul3A_65 = arith.constant 2 : i32
      %mul3A_66 = arith.muli %scan3A_46, %mul3A_65 : i32
      %add3A_67 = arith.constant 1 : i32
      %add3A_68 = arith.addi %mul3A_66, %add3A_67 : i32
      %dma_wait3A_69 = arith.constant 0 : i32
      %dma_wait3A_70 = tpu.memref_slice %arg6[%add3A_68, %dma_wait3A_69] : memref<82x128xi32, #tpu.memory_space<vmem>> -> memref<1x128xi32, #tpu.memory_space<vmem>>
      %dma_wait3A_71 = tpu.memref_squeeze %dma_wait3A_70 : memref<1x128xi32, #tpu.memory_space<vmem>> -> memref<128xi32, #tpu.memory_space<vmem>>
      %dma_wait3A_72 = arith.constant 0 : i32
      %dma_wait3A_73 = arith.constant 0 : i32
      %dma_wait3A_74 = tpu.memref_slice %arg2[%dma_wait3A_72, %dma_wait3A_73] : memref<10000x16xf32, #tpu.memory_space<hbm>> -> memref<10000x16xf32, #tpu.memory_space<hbm>>
      tpu.wait_indirect_dma semaphore(%arg13 : memref<!tpu.dma_semaphore, #tpu.memory_space<semaphore_mem>>) src(%dma_wait3A_74 : memref<10000x16xf32, #tpu.memory_space<hbm>>) dst(%arg9 : memref<128x16xf32, #tpu.memory_space<vmem>>)
      "tpu.region"() ({
        %run_scoped3A = tpu.sem_alloc : memref<!tpu.dma_semaphore, #tpu.memory_space<semaphore_mem>>
        %dma_start3A_83 = arith.constant 0 : i32
        %dma_start3A_84 = tpu.memref_slice %arg7[%add3A_68, %dma_start3A_83] : memref<82x128xi32, #tpu.memory_space<vmem>> -> memref<1x128xi32, #tpu.memory_space<vmem>>
        %dma_start3A_85 = tpu.memref_squeeze %dma_start3A_84 : memref<1x128xi32, #tpu.memory_space<vmem>> -> memref<128xi32, #tpu.memory_space<vmem>>
        %dma_start3A_86 = arith.constant 0 : i32
        %dma_start3A_87 = arith.constant 0 : i32
        %dma_start3A_88 = tpu.memref_slice %arg11[%dma_start3A_86, %dma_start3A_87] : memref<10112x16xf32, #tpu.memory_space<vmem_shared>> -> memref<10112x16xf32, #tpu.memory_space<vmem_shared>>
        tpu.enqueue_indirect_dma source(%arg9 : memref<128x16xf32, #tpu.memory_space<vmem>>) target(%dma_start3A_88 : memref<10112x16xf32, #tpu.memory_space<vmem_shared>>) offsets(%dma_start3A_85 : memref<128xi32, #tpu.memory_space<vmem>>) semaphore(%run_scoped3A : memref<!tpu.dma_semaphore, #tpu.memory_space<semaphore_mem>>) {add = true}
        %dma_wait3A_89 = arith.constant 0 : i32
        %dma_wait3A_90 = tpu.memref_slice %arg7[%add3A_68, %dma_wait3A_89] : memref<82x128xi32, #tpu.memory_space<vmem>> -> memref<1x128xi32, #tpu.memory_space<vmem>>
        %dma_wait3A_91 = tpu.memref_squeeze %dma_wait3A_90 : memref<1x128xi32, #tpu.memory_space<vmem>> -> memref<128xi32, #tpu.memory_space<vmem>>
        %dma_wait3A_92 = arith.constant 0 : i32
        %dma_wait3A_93 = arith.constant 0 : i32
        %dma_wait3A_94 = tpu.memref_slice %arg11[%dma_wait3A_92, %dma_wait3A_93] : memref<10112x16xf32, #tpu.memory_space<vmem_shared>> -> memref<10112x16xf32, #tpu.memory_space<vmem_shared>>
        tpu.wait_indirect_dma semaphore(%run_scoped3A : memref<!tpu.dma_semaphore, #tpu.memory_space<semaphore_mem>>) src(%arg9 : memref<128x16xf32, #tpu.memory_space<vmem>>) dst(%dma_wait3A_94 : memref<10112x16xf32, #tpu.memory_space<vmem_shared>>)
        tpu.yield
      }) : () -> ()
      %add3A_75 = arith.constant 2 : i32
      %add3A_76 = arith.addi %add3A_68, %add3A_75 : i32
      %dma_start3A_77 = arith.constant 0 : i32
      %dma_start3A_78 = tpu.memref_slice %arg6[%add3A_76, %dma_start3A_77] : memref<82x128xi32, #tpu.memory_space<vmem>> -> memref<1x128xi32, #tpu.memory_space<vmem>>
      %dma_start3A_79 = tpu.memref_squeeze %dma_start3A_78 : memref<1x128xi32, #tpu.memory_space<vmem>> -> memref<128xi32, #tpu.memory_space<vmem>>
      %dma_start3A_80 = arith.constant 0 : i32
      %dma_start3A_81 = arith.constant 0 : i32
      %dma_start3A_82 = tpu.memref_slice %arg2[%dma_start3A_80, %dma_start3A_81] : memref<10000x16xf32, #tpu.memory_space<hbm>> -> memref<10000x16xf32, #tpu.memory_space<hbm>>
      tpu.enqueue_indirect_dma source(%dma_start3A_82 : memref<10000x16xf32, #tpu.memory_space<hbm>>) target(%arg9 : memref<128x16xf32, #tpu.memory_space<vmem>>) offsets(%dma_start3A_79 : memref<128xi32, #tpu.memory_space<vmem>>) semaphore(%arg13 : memref<!tpu.dma_semaphore, #tpu.memory_space<semaphore_mem>>)
    }
    %scan3A_27 = arith.constant 40 : i32
    %dma_wait3A = arith.constant 80 : i32
    %dma_wait3A_28 = arith.constant 0 : i32
    %dma_wait3A_29 = tpu.memref_slice %arg6[%dma_wait3A, %dma_wait3A_28] : memref<82x128xi32, #tpu.memory_space<vmem>> -> memref<1x128xi32, #tpu.memory_space<vmem>>
    %dma_wait3A_30 = tpu.memref_squeeze %dma_wait3A_29 : memref<1x128xi32, #tpu.memory_space<vmem>> -> memref<128xi32, #tpu.memory_space<vmem>>
    %dma_wait3A_31 = arith.constant 0 : i32
    %dma_wait3A_32 = arith.constant 0 : i32
    %dma_wait3A_33 = tpu.memref_slice %arg2[%dma_wait3A_31, %dma_wait3A_32] : memref<10000x16xf32, #tpu.memory_space<hbm>> -> memref<10000x16xf32, #tpu.memory_space<hbm>>
    tpu.wait_indirect_dma semaphore(%arg12 : memref<!tpu.dma_semaphore, #tpu.memory_space<semaphore_mem>>) src(%dma_wait3A_33 : memref<10000x16xf32, #tpu.memory_space<hbm>>) dst(%arg8 : memref<128x16xf32, #tpu.memory_space<vmem>>)
    %dma_wait3A_34 = arith.constant 81 : i32
    %dma_wait3A_35 = arith.constant 0 : i32
    %dma_wait3A_36 = tpu.memref_slice %arg6[%dma_wait3A_34, %dma_wait3A_35] : memref<82x128xi32, #tpu.memory_space<vmem>> -> memref<1x128xi32, #tpu.memory_space<vmem>>
    %dma_wait3A_37 = tpu.memref_squeeze %dma_wait3A_36 : memref<1x128xi32, #tpu.memory_space<vmem>> -> memref<128xi32, #tpu.memory_space<vmem>>
    %dma_wait3A_38 = arith.constant 0 : i32
    %dma_wait3A_39 = arith.constant 0 : i32
    %dma_wait3A_40 = tpu.memref_slice %arg2[%dma_wait3A_38, %dma_wait3A_39] : memref<10000x16xf32, #tpu.memory_space<hbm>> -> memref<10000x16xf32, #tpu.memory_space<hbm>>
    tpu.wait_indirect_dma semaphore(%arg13 : memref<!tpu.dma_semaphore, #tpu.memory_space<semaphore_mem>>) src(%dma_wait3A_40 : memref<10000x16xf32, #tpu.memory_space<hbm>>) dst(%arg9 : memref<128x16xf32, #tpu.memory_space<vmem>>)
    %barrier3A_41 = arith.constant 0 : index
    tpu.barrier barrier_id(%barrier3A_41)
    %mul3A_42 = arith.constant 632 : i32
    %mul3A_43 = arith.muli %arg1, %mul3A_42 : i32
    "tpu.region"() ({
      %run_scoped3A = tpu.sem_alloc : memref<!tpu.dma_semaphore, #tpu.memory_space<semaphore_mem>>
      %dma_start3A_46 = arith.constant 0 : i32
      %dma_start3A_47 = tpu.memref_slice %arg11[%mul3A_43, %dma_start3A_46] : memref<10112x16xf32, #tpu.memory_space<vmem_shared>> -> memref<632x16xf32, #tpu.memory_space<vmem_shared>>
      %dma_start3A_48 = arith.constant 0 : i32
      %dma_start3A_49 = tpu.memref_slice %arg11[%mul3A_43, %dma_start3A_48] : memref<10112x16xf32, #tpu.memory_space<vmem_shared>> -> memref<632x16xf32, #tpu.memory_space<vmem_shared>>
      tpu.enqueue_dma source(%dma_start3A_49 : memref<632x16xf32, #tpu.memory_space<vmem_shared>>) target(%arg10 : memref<632x16xf32, #tpu.memory_space<vmem>>) target_semaphore(%run_scoped3A : memref<!tpu.dma_semaphore, #tpu.memory_space<semaphore_mem>>)
      %dma_wait3A_50 = arith.constant 0 : i32
      %dma_wait3A_51 = tpu.memref_slice %arg11[%mul3A_43, %dma_wait3A_50] : memref<10112x16xf32, #tpu.memory_space<vmem_shared>> -> memref<632x16xf32, #tpu.memory_space<vmem_shared>>
      %dma_wait3A_52 = arith.constant 0 : i32
      %dma_wait3A_53 = tpu.memref_slice %arg11[%mul3A_43, %dma_wait3A_52] : memref<10112x16xf32, #tpu.memory_space<vmem_shared>> -> memref<632x16xf32, #tpu.memory_space<vmem_shared>>
      tpu.wait_dma2 semaphore(%run_scoped3A : memref<!tpu.dma_semaphore, #tpu.memory_space<semaphore_mem>>) src(%dma_wait3A_53 : memref<632x16xf32, #tpu.memory_space<vmem_shared>>) dst(%arg10 : memref<632x16xf32, #tpu.memory_space<vmem>>)
      tpu.yield
    }) : () -> ()
    %mul3A_44 = arith.constant 632 : i32
    %mul3A_45 = arith.muli %arg1, %mul3A_44 : i32
    "tpu.region"() ({
      %run_scoped3A = tpu.sem_alloc : memref<!tpu.dma_semaphore, #tpu.memory_space<semaphore_mem>>
      %dma_start3A_46 = arith.constant 0 : i32
      %dma_start3A_47 = tpu.memref_slice %arg5[%arg0, %mul3A_45, %dma_start3A_46] : memref<2x10112x16xf32, #tpu.memory_space<hbm>> -> memref<1x632x16xf32, #tpu.memory_space<hbm>>
      %dma_start3A_48 = tpu.memref_squeeze %dma_start3A_47 : memref<1x632x16xf32, #tpu.memory_space<hbm>> -> memref<632x16xf32, #tpu.memory_space<hbm>>
      %dma_start3A_49 = arith.constant 0 : i32
      %dma_start3A_50 = tpu.memref_slice %arg5[%arg0, %mul3A_45, %dma_start3A_49] : memref<2x10112x16xf32, #tpu.memory_space<hbm>> -> memref<1x632x16xf32, #tpu.memory_space<hbm>>
      %dma_start3A_51 = tpu.memref_squeeze %dma_start3A_50 : memref<1x632x16xf32, #tpu.memory_space<hbm>> -> memref<632x16xf32, #tpu.memory_space<hbm>>
      tpu.enqueue_dma source(%arg10 : memref<632x16xf32, #tpu.memory_space<vmem>>) target(%dma_start3A_51 : memref<632x16xf32, #tpu.memory_space<hbm>>) target_semaphore(%run_scoped3A : memref<!tpu.dma_semaphore, #tpu.memory_space<semaphore_mem>>)
      %dma_wait3A_52 = arith.constant 0 : i32
      %dma_wait3A_53 = tpu.memref_slice %arg5[%arg0, %mul3A_45, %dma_wait3A_52] : memref<2x10112x16xf32, #tpu.memory_space<hbm>> -> memref<1x632x16xf32, #tpu.memory_space<hbm>>
      %dma_wait3A_54 = tpu.memref_squeeze %dma_wait3A_53 : memref<1x632x16xf32, #tpu.memory_space<hbm>> -> memref<632x16xf32, #tpu.memory_space<hbm>>
      %dma_wait3A_55 = arith.constant 0 : i32
      %dma_wait3A_56 = tpu.memref_slice %arg5[%arg0, %mul3A_45, %dma_wait3A_55] : memref<2x10112x16xf32, #tpu.memory_space<hbm>> -> memref<1x632x16xf32, #tpu.memory_space<hbm>>
      %dma_wait3A_57 = tpu.memref_squeeze %dma_wait3A_56 : memref<1x632x16xf32, #tpu.memory_space<hbm>> -> memref<632x16xf32, #tpu.memory_space<hbm>>
      tpu.wait_dma2 semaphore(%run_scoped3A : memref<!tpu.dma_semaphore, #tpu.memory_space<semaphore_mem>>) src(%arg10 : memref<632x16xf32, #tpu.memory_space<vmem>>) dst(%dma_wait3A_57 : memref<632x16xf32, #tpu.memory_space<hbm>>)
      tpu.yield
    }) : () -> ()
    return
  }
}

#map = affine_map<(d0, d1) -> (0, 0)>
#map1 = affine_map<(d0, d1) -> (0, 0, 0)>
module attributes {stable_mosaic.version = 14 : i64} {
  func.func @agg_kernel(%arg0: i32, %arg1: i32, %arg2: memref<10000x16xf32, #tpu.memory_space<hbm>>, %arg3: memref<32x82x128xi32, #tpu.memory_space<hbm>>, %arg4: memref<32x82x128xi32, #tpu.memory_space<hbm>>, %arg5: memref<2x10112x16xf32, #tpu.memory_space<hbm>>, %arg6: memref<82x128xi32, #tpu.memory_space<vmem>>, %arg7: memref<82x128xi32, #tpu.memory_space<vmem>>, %arg8: memref<128x16xf32, #tpu.memory_space<vmem>>, %arg9: memref<128x16xf32, #tpu.memory_space<vmem>>, %arg10: memref<632x16xf32, #tpu.memory_space<vmem>>, %arg11: memref<10112x16xf32, #tpu.memory_space<vmem_shared>>, %arg12: memref<!tpu.dma_semaphore, #tpu.memory_space<semaphore_mem>>, %arg13: memref<!tpu.dma_semaphore, #tpu.memory_space<semaphore_mem>>) attributes {dimension_semantics = [#tpu.dimension_semantics<core_parallel>, #tpu.dimension_semantics<subcore_parallel>], iteration_bounds = array<i64: 2, 16>, scalar_prefetch = 0 : i64, scratch_operands = 8 : i64, tpu.core_type = #tpu.core_type<sc_vector_subcore>, window_params = [{transform_indices = #map}, {transform_indices = #map1}, {transform_indices = #map1}, {transform_indices = #map1}]} {
    %mul3A = arith.constant 16 : i32
    %mul3A_0 = arith.muli %arg0, %mul3A : i32
    %add3A = arith.addi %mul3A_0, %arg1 : i32
    "tpu.region"() ({
      %run_scoped3A = tpu.sem_alloc : memref<!tpu.dma_semaphore, #tpu.memory_space<semaphore_mem>>
      %dma_start3A_46 = arith.constant 0 : i32
      %dma_start3A_47 = arith.constant 0 : i32
      %dma_start3A_48 = tpu.memref_slice %arg3[%add3A, %dma_start3A_46, %dma_start3A_47] : memref<32x82x128xi32, #tpu.memory_space<hbm>> -> memref<1x82x128xi32, #tpu.memory_space<hbm>>
      %dma_start3A_49 = tpu.memref_squeeze %dma_start3A_48 : memref<1x82x128xi32, #tpu.memory_space<hbm>> -> memref<82x128xi32, #tpu.memory_space<hbm>>
      %dma_start3A_50 = arith.constant 0 : i32
      %dma_start3A_51 = arith.constant 0 : i32
      %dma_start3A_52 = tpu.memref_slice %arg3[%add3A, %dma_start3A_50, %dma_start3A_51] : memref<32x82x128xi32, #tpu.memory_space<hbm>> -> memref<1x82x128xi32, #tpu.memory_space<hbm>>
      %dma_start3A_53 = tpu.memref_squeeze %dma_start3A_52 : memref<1x82x128xi32, #tpu.memory_space<hbm>> -> memref<82x128xi32, #tpu.memory_space<hbm>>
      tpu.enqueue_dma source(%dma_start3A_53 : memref<82x128xi32, #tpu.memory_space<hbm>>) target(%arg6 : memref<82x128xi32, #tpu.memory_space<vmem>>) target_semaphore(%run_scoped3A : memref<!tpu.dma_semaphore, #tpu.memory_space<semaphore_mem>>)
      %dma_wait3A_54 = arith.constant 0 : i32
      %dma_wait3A_55 = arith.constant 0 : i32
      %dma_wait3A_56 = tpu.memref_slice %arg3[%add3A, %dma_wait3A_54, %dma_wait3A_55] : memref<32x82x128xi32, #tpu.memory_space<hbm>> -> memref<1x82x128xi32, #tpu.memory_space<hbm>>
      %dma_wait3A_57 = tpu.memref_squeeze %dma_wait3A_56 : memref<1x82x128xi32, #tpu.memory_space<hbm>> -> memref<82x128xi32, #tpu.memory_space<hbm>>
      %dma_wait3A_58 = arith.constant 0 : i32
      %dma_wait3A_59 = arith.constant 0 : i32
      %dma_wait3A_60 = tpu.memref_slice %arg3[%add3A, %dma_wait3A_58, %dma_wait3A_59] : memref<32x82x128xi32, #tpu.memory_space<hbm>> -> memref<1x82x128xi32, #tpu.memory_space<hbm>>
      %dma_wait3A_61 = tpu.memref_squeeze %dma_wait3A_60 : memref<1x82x128xi32, #tpu.memory_space<hbm>> -> memref<82x128xi32, #tpu.memory_space<hbm>>
      tpu.wait_dma2 semaphore(%run_scoped3A : memref<!tpu.dma_semaphore, #tpu.memory_space<semaphore_mem>>) src(%dma_wait3A_61 : memref<82x128xi32, #tpu.memory_space<hbm>>) dst(%arg6 : memref<82x128xi32, #tpu.memory_space<vmem>>)
      tpu.yield
    }) : () -> ()
    "tpu.region"() ({
      %run_scoped3A = tpu.sem_alloc : memref<!tpu.dma_semaphore, #tpu.memory_space<semaphore_mem>>
      %dma_start3A_46 = arith.constant 0 : i32
      %dma_start3A_47 = arith.constant 0 : i32
      %dma_start3A_48 = tpu.memref_slice %arg4[%add3A, %dma_start3A_46, %dma_start3A_47] : memref<32x82x128xi32, #tpu.memory_space<hbm>> -> memref<1x82x128xi32, #tpu.memory_space<hbm>>
      %dma_start3A_49 = tpu.memref_squeeze %dma_start3A_48 : memref<1x82x128xi32, #tpu.memory_space<hbm>> -> memref<82x128xi32, #tpu.memory_space<hbm>>
      %dma_start3A_50 = arith.constant 0 : i32
      %dma_start3A_51 = arith.constant 0 : i32
      %dma_start3A_52 = tpu.memref_slice %arg4[%add3A, %dma_start3A_50, %dma_start3A_51] : memref<32x82x128xi32, #tpu.memory_space<hbm>> -> memref<1x82x128xi32, #tpu.memory_space<hbm>>
      %dma_start3A_53 = tpu.memref_squeeze %dma_start3A_52 : memref<1x82x128xi32, #tpu.memory_space<hbm>> -> memref<82x128xi32, #tpu.memory_space<hbm>>
      tpu.enqueue_dma source(%dma_start3A_53 : memref<82x128xi32, #tpu.memory_space<hbm>>) target(%arg7 : memref<82x128xi32, #tpu.memory_space<vmem>>) target_semaphore(%run_scoped3A : memref<!tpu.dma_semaphore, #tpu.memory_space<semaphore_mem>>)
      %dma_wait3A_54 = arith.constant 0 : i32
      %dma_wait3A_55 = arith.constant 0 : i32
      %dma_wait3A_56 = tpu.memref_slice %arg4[%add3A, %dma_wait3A_54, %dma_wait3A_55] : memref<32x82x128xi32, #tpu.memory_space<hbm>> -> memref<1x82x128xi32, #tpu.memory_space<hbm>>
      %dma_wait3A_57 = tpu.memref_squeeze %dma_wait3A_56 : memref<1x82x128xi32, #tpu.memory_space<hbm>> -> memref<82x128xi32, #tpu.memory_space<hbm>>
      %dma_wait3A_58 = arith.constant 0 : i32
      %dma_wait3A_59 = arith.constant 0 : i32
      %dma_wait3A_60 = tpu.memref_slice %arg4[%add3A, %dma_wait3A_58, %dma_wait3A_59] : memref<32x82x128xi32, #tpu.memory_space<hbm>> -> memref<1x82x128xi32, #tpu.memory_space<hbm>>
      %dma_wait3A_61 = tpu.memref_squeeze %dma_wait3A_60 : memref<1x82x128xi32, #tpu.memory_space<hbm>> -> memref<82x128xi32, #tpu.memory_space<hbm>>
      tpu.wait_dma2 semaphore(%run_scoped3A : memref<!tpu.dma_semaphore, #tpu.memory_space<semaphore_mem>>) src(%dma_wait3A_61 : memref<82x128xi32, #tpu.memory_space<hbm>>) dst(%arg7 : memref<82x128xi32, #tpu.memory_space<vmem>>)
      tpu.yield
    }) : () -> ()
    %dma_start3A = arith.constant 0 : i32
    %dma_start3A_1 = arith.constant 0 : i32
    %dma_start3A_2 = tpu.memref_slice %arg6[%dma_start3A, %dma_start3A_1] : memref<82x128xi32, #tpu.memory_space<vmem>> -> memref<1x128xi32, #tpu.memory_space<vmem>>
    %dma_start3A_3 = tpu.memref_squeeze %dma_start3A_2 : memref<1x128xi32, #tpu.memory_space<vmem>> -> memref<128xi32, #tpu.memory_space<vmem>>
    %dma_start3A_4 = arith.constant 0 : i32
    %dma_start3A_5 = arith.constant 0 : i32
    %dma_start3A_6 = tpu.memref_slice %arg2[%dma_start3A_4, %dma_start3A_5] : memref<10000x16xf32, #tpu.memory_space<hbm>> -> memref<10000x16xf32, #tpu.memory_space<hbm>>
    tpu.enqueue_indirect_dma source(%dma_start3A_6 : memref<10000x16xf32, #tpu.memory_space<hbm>>) target(%arg8 : memref<128x16xf32, #tpu.memory_space<vmem>>) offsets(%dma_start3A_3 : memref<128xi32, #tpu.memory_space<vmem>>) semaphore(%arg12 : memref<!tpu.dma_semaphore, #tpu.memory_space<semaphore_mem>>)
    %dma_start3A_7 = arith.constant 1 : i32
    %dma_start3A_8 = arith.constant 0 : i32
    %dma_start3A_9 = tpu.memref_slice %arg6[%dma_start3A_7, %dma_start3A_8] : memref<82x128xi32, #tpu.memory_space<vmem>> -> memref<1x128xi32, #tpu.memory_space<vmem>>
    %dma_start3A_10 = tpu.memref_squeeze %dma_start3A_9 : memref<1x128xi32, #tpu.memory_space<vmem>> -> memref<128xi32, #tpu.memory_space<vmem>>
    %dma_start3A_11 = arith.constant 0 : i32
    %dma_start3A_12 = arith.constant 0 : i32
    %dma_start3A_13 = tpu.memref_slice %arg2[%dma_start3A_11, %dma_start3A_12] : memref<10000x16xf32, #tpu.memory_space<hbm>> -> memref<10000x16xf32, #tpu.memory_space<hbm>>
    tpu.enqueue_indirect_dma source(%dma_start3A_13 : memref<10000x16xf32, #tpu.memory_space<hbm>>) target(%arg9 : memref<128x16xf32, #tpu.memory_space<vmem>>) offsets(%dma_start3A_10 : memref<128xi32, #tpu.memory_space<vmem>>) semaphore(%arg13 : memref<!tpu.dma_semaphore, #tpu.memory_space<semaphore_mem>>)
    %broadcast_in_dim3A = arith.constant 0.000000e+00 : f32
    %broadcast_in_dim3A_14 = vector.broadcast %broadcast_in_dim3A : f32 to vector<16xf32>
    %scan3A = arith.constant 0 : i32
    %scan3A_15 = arith.constant 0 : i32
    %scan3A_16 = arith.constant 632 : i32
    %scan3A_17 = arith.addi %scan3A_15, %scan3A_16 : i32
    %scan3A_18 = arith.constant 1 : i32
    scf.for %scan3A_46 = %scan3A_15 to %scan3A_17 step %scan3A_18  : i32 {
      %swap3A = arith.index_cast %scan3A_46 : i32 to index
      %swap3A_47 = arith.constant 0 : index
      %swap3A_48 = tpu.vector_load %arg10[%swap3A, %swap3A_47] {strides = array<i32>} : memref<632x16xf32, #tpu.memory_space<vmem>>, vector<16xf32>,
      tpu.vector_store %arg10[%swap3A, %swap3A_47], %broadcast_in_dim3A_14 {strides = array<i32>} : memref<632x16xf32, #tpu.memory_space<vmem>>, vector<16xf32>,
    }
    %scan3A_19 = arith.constant 632 : i32
    %mul3A_20 = arith.constant 632 : i32
    %mul3A_21 = arith.muli %arg1, %mul3A_20 : i32
    "tpu.region"() ({
      %run_scoped3A = tpu.sem_alloc : memref<!tpu.dma_semaphore, #tpu.memory_space<semaphore_mem>>
      %dma_start3A_46 = arith.constant 0 : i32
      %dma_start3A_47 = tpu.memref_slice %arg11[%mul3A_21, %dma_start3A_46] : memref<10112x16xf32, #tpu.memory_space<vmem_shared>> -> memref<632x16xf32, #tpu.memory_space<vmem_shared>>
      %dma_start3A_48 = arith.constant 0 : i32
      %dma_start3A_49 = tpu.memref_slice %arg11[%mul3A_21, %dma_start3A_48] : memref<10112x16xf32, #tpu.memory_space<vmem_shared>> -> memref<632x16xf32, #tpu.memory_space<vmem_shared>>
      tpu.enqueue_dma source(%arg10 : memref<632x16xf32, #tpu.memory_space<vmem>>) target(%dma_start3A_49 : memref<632x16xf32, #tpu.memory_space<vmem_shared>>) target_semaphore(%run_scoped3A : memref<!tpu.dma_semaphore, #tpu.memory_space<semaphore_mem>>)
      %dma_wait3A_50 = arith.constant 0 : i32
      %dma_wait3A_51 = tpu.memref_slice %arg11[%mul3A_21, %dma_wait3A_50] : memref<10112x16xf32, #tpu.memory_space<vmem_shared>> -> memref<632x16xf32, #tpu.memory_space<vmem_shared>>
      %dma_wait3A_52 = arith.constant 0 : i32
      %dma_wait3A_53 = tpu.memref_slice %arg11[%mul3A_21, %dma_wait3A_52] : memref<10112x16xf32, #tpu.memory_space<vmem_shared>> -> memref<632x16xf32, #tpu.memory_space<vmem_shared>>
      tpu.wait_dma2 semaphore(%run_scoped3A : memref<!tpu.dma_semaphore, #tpu.memory_space<semaphore_mem>>) src(%arg10 : memref<632x16xf32, #tpu.memory_space<vmem>>) dst(%dma_wait3A_53 : memref<632x16xf32, #tpu.memory_space<vmem_shared>>)
      tpu.yield
    }) : () -> ()
    %barrier3A = arith.constant 0 : index
    tpu.barrier barrier_id(%barrier3A)
    %scan3A_22 = arith.constant 0 : i32
    %scan3A_23 = arith.constant 0 : i32
    %scan3A_24 = arith.constant 40 : i32
    %scan3A_25 = arith.addi %scan3A_23, %scan3A_24 : i32
    %scan3A_26 = arith.constant 1 : i32
    scf.for %scan3A_46 = %scan3A_23 to %scan3A_25 step %scan3A_26  : i32 {
      %mul3A_47 = arith.constant 2 : i32
      %mul3A_48 = arith.muli %scan3A_46, %mul3A_47 : i32
      %add3A_49 = arith.constant 0 : i32
      %add3A_50 = arith.addi %mul3A_48, %add3A_49 : i32
      %dma_wait3A_51 = arith.constant 0 : i32
      %dma_wait3A_52 = tpu.memref_slice %arg6[%add3A_50, %dma_wait3A_51] : memref<82x128xi32, #tpu.memory_space<vmem>> -> memref<1x128xi32, #tpu.memory_space<vmem>>
      %dma_wait3A_53 = tpu.memref_squeeze %dma_wait3A_52 : memref<1x128xi32, #tpu.memory_space<vmem>> -> memref<128xi32, #tpu.memory_space<vmem>>
      %dma_wait3A_54 = arith.constant 0 : i32
      %dma_wait3A_55 = arith.constant 0 : i32
      %dma_wait3A_56 = tpu.memref_slice %arg2[%dma_wait3A_54, %dma_wait3A_55] : memref<10000x16xf32, #tpu.memory_space<hbm>> -> memref<10000x16xf32, #tpu.memory_space<hbm>>
      tpu.wait_indirect_dma semaphore(%arg12 : memref<!tpu.dma_semaphore, #tpu.memory_space<semaphore_mem>>) src(%dma_wait3A_56 : memref<10000x16xf32, #tpu.memory_space<hbm>>) dst(%arg8 : memref<128x16xf32, #tpu.memory_space<vmem>>)
      "tpu.region"() ({
        %run_scoped3A = tpu.sem_alloc : memref<!tpu.dma_semaphore, #tpu.memory_space<semaphore_mem>>
        %dma_start3A_83 = arith.constant 0 : i32
        %dma_start3A_84 = tpu.memref_slice %arg7[%add3A_50, %dma_start3A_83] : memref<82x128xi32, #tpu.memory_space<vmem>> -> memref<1x128xi32, #tpu.memory_space<vmem>>
        %dma_start3A_85 = tpu.memref_squeeze %dma_start3A_84 : memref<1x128xi32, #tpu.memory_space<vmem>> -> memref<128xi32, #tpu.memory_space<vmem>>
        %dma_start3A_86 = arith.constant 0 : i32
        %dma_start3A_87 = arith.constant 0 : i32
        %dma_start3A_88 = tpu.memref_slice %arg11[%dma_start3A_86, %dma_start3A_87] : memref<10112x16xf32, #tpu.memory_space<vmem_shared>> -> memref<10112x16xf32, #tpu.memory_space<vmem_shared>>
        tpu.enqueue_indirect_dma source(%arg8 : memref<128x16xf32, #tpu.memory_space<vmem>>) target(%dma_start3A_88 : memref<10112x16xf32, #tpu.memory_space<vmem_shared>>) offsets(%dma_start3A_85 : memref<128xi32, #tpu.memory_space<vmem>>) semaphore(%run_scoped3A : memref<!tpu.dma_semaphore, #tpu.memory_space<semaphore_mem>>) {add = true}
        %dma_wait3A_89 = arith.constant 0 : i32
        %dma_wait3A_90 = tpu.memref_slice %arg7[%add3A_50, %dma_wait3A_89] : memref<82x128xi32, #tpu.memory_space<vmem>> -> memref<1x128xi32, #tpu.memory_space<vmem>>
        %dma_wait3A_91 = tpu.memref_squeeze %dma_wait3A_90 : memref<1x128xi32, #tpu.memory_space<vmem>> -> memref<128xi32, #tpu.memory_space<vmem>>
        %dma_wait3A_92 = arith.constant 0 : i32
        %dma_wait3A_93 = arith.constant 0 : i32
        %dma_wait3A_94 = tpu.memref_slice %arg11[%dma_wait3A_92, %dma_wait3A_93] : memref<10112x16xf32, #tpu.memory_space<vmem_shared>> -> memref<10112x16xf32, #tpu.memory_space<vmem_shared>>
        tpu.wait_indirect_dma semaphore(%run_scoped3A : memref<!tpu.dma_semaphore, #tpu.memory_space<semaphore_mem>>) src(%arg8 : memref<128x16xf32, #tpu.memory_space<vmem>>) dst(%dma_wait3A_94 : memref<10112x16xf32, #tpu.memory_space<vmem_shared>>)
        tpu.yield
      }) : () -> ()
      %add3A_57 = arith.constant 2 : i32
      %add3A_58 = arith.addi %add3A_50, %add3A_57 : i32
      %dma_start3A_59 = arith.constant 0 : i32
      %dma_start3A_60 = tpu.memref_slice %arg6[%add3A_58, %dma_start3A_59] : memref<82x128xi32, #tpu.memory_space<vmem>> -> memref<1x128xi32, #tpu.memory_space<vmem>>
      %dma_start3A_61 = tpu.memref_squeeze %dma_start3A_60 : memref<1x128xi32, #tpu.memory_space<vmem>> -> memref<128xi32, #tpu.memory_space<vmem>>
      %dma_start3A_62 = arith.constant 0 : i32
      %dma_start3A_63 = arith.constant 0 : i32
      %dma_start3A_64 = tpu.memref_slice %arg2[%dma_start3A_62, %dma_start3A_63] : memref<10000x16xf32, #tpu.memory_space<hbm>> -> memref<10000x16xf32, #tpu.memory_space<hbm>>
      tpu.enqueue_indirect_dma source(%dma_start3A_64 : memref<10000x16xf32, #tpu.memory_space<hbm>>) target(%arg8 : memref<128x16xf32, #tpu.memory_space<vmem>>) offsets(%dma_start3A_61 : memref<128xi32, #tpu.memory_space<vmem>>) semaphore(%arg12 : memref<!tpu.dma_semaphore, #tpu.memory_space<semaphore_mem>>)
      %mul3A_65 = arith.constant 2 : i32
      %mul3A_66 = arith.muli %scan3A_46, %mul3A_65 : i32
      %add3A_67 = arith.constant 1 : i32
      %add3A_68 = arith.addi %mul3A_66, %add3A_67 : i32
      %dma_wait3A_69 = arith.constant 0 : i32
      %dma_wait3A_70 = tpu.memref_slice %arg6[%add3A_68, %dma_wait3A_69] : memref<82x128xi32, #tpu.memory_space<vmem>> -> memref<1x128xi32, #tpu.memory_space<vmem>>
      %dma_wait3A_71 = tpu.memref_squeeze %dma_wait3A_70 : memref<1x128xi32, #tpu.memory_space<vmem>> -> memref<128xi32, #tpu.memory_space<vmem>>
      %dma_wait3A_72 = arith.constant 0 : i32
      %dma_wait3A_73 = arith.constant 0 : i32
      %dma_wait3A_74 = tpu.memref_slice %arg2[%dma_wait3A_72, %dma_wait3A_73] : memref<10000x16xf32, #tpu.memory_space<hbm>> -> memref<10000x16xf32, #tpu.memory_space<hbm>>
      tpu.wait_indirect_dma semaphore(%arg13 : memref<!tpu.dma_semaphore, #tpu.memory_space<semaphore_mem>>) src(%dma_wait3A_74 : memref<10000x16xf32, #tpu.memory_space<hbm>>) dst(%arg9 : memref<128x16xf32, #tpu.memory_space<vmem>>)
      "tpu.region"() ({
        %run_scoped3A = tpu.sem_alloc : memref<!tpu.dma_semaphore, #tpu.memory_space<semaphore_mem>>
        %dma_start3A_83 = arith.constant 0 : i32
        %dma_start3A_84 = tpu.memref_slice %arg7[%add3A_68, %dma_start3A_83] : memref<82x128xi32, #tpu.memory_space<vmem>> -> memref<1x128xi32, #tpu.memory_space<vmem>>
        %dma_start3A_85 = tpu.memref_squeeze %dma_start3A_84 : memref<1x128xi32, #tpu.memory_space<vmem>> -> memref<128xi32, #tpu.memory_space<vmem>>
        %dma_start3A_86 = arith.constant 0 : i32
        %dma_start3A_87 = arith.constant 0 : i32
        %dma_start3A_88 = tpu.memref_slice %arg11[%dma_start3A_86, %dma_start3A_87] : memref<10112x16xf32, #tpu.memory_space<vmem_shared>> -> memref<10112x16xf32, #tpu.memory_space<vmem_shared>>
        tpu.enqueue_indirect_dma source(%arg9 : memref<128x16xf32, #tpu.memory_space<vmem>>) target(%dma_start3A_88 : memref<10112x16xf32, #tpu.memory_space<vmem_shared>>) offsets(%dma_start3A_85 : memref<128xi32, #tpu.memory_space<vmem>>) semaphore(%run_scoped3A : memref<!tpu.dma_semaphore, #tpu.memory_space<semaphore_mem>>) {add = true}
        %dma_wait3A_89 = arith.constant 0 : i32
        %dma_wait3A_90 = tpu.memref_slice %arg7[%add3A_68, %dma_wait3A_89] : memref<82x128xi32, #tpu.memory_space<vmem>> -> memref<1x128xi32, #tpu.memory_space<vmem>>
        %dma_wait3A_91 = tpu.memref_squeeze %dma_wait3A_90 : memref<1x128xi32, #tpu.memory_space<vmem>> -> memref<128xi32, #tpu.memory_space<vmem>>
        %dma_wait3A_92 = arith.constant 0 : i32
        %dma_wait3A_93 = arith.constant 0 : i32
        %dma_wait3A_94 = tpu.memref_slice %arg11[%dma_wait3A_92, %dma_wait3A_93] : memref<10112x16xf32, #tpu.memory_space<vmem_shared>> -> memref<10112x16xf32, #tpu.memory_space<vmem_shared>>
        tpu.wait_indirect_dma semaphore(%run_scoped3A : memref<!tpu.dma_semaphore, #tpu.memory_space<semaphore_mem>>) src(%arg9 : memref<128x16xf32, #tpu.memory_space<vmem>>) dst(%dma_wait3A_94 : memref<10112x16xf32, #tpu.memory_space<vmem_shared>>)
        tpu.yield
      }) : () -> ()
      %add3A_75 = arith.constant 2 : i32
      %add3A_76 = arith.addi %add3A_68, %add3A_75 : i32
      %dma_start3A_77 = arith.constant 0 : i32
      %dma_start3A_78 = tpu.memref_slice %arg6[%add3A_76, %dma_start3A_77] : memref<82x128xi32, #tpu.memory_space<vmem>> -> memref<1x128xi32, #tpu.memory_space<vmem>>
      %dma_start3A_79 = tpu.memref_squeeze %dma_start3A_78 : memref<1x128xi32, #tpu.memory_space<vmem>> -> memref<128xi32, #tpu.memory_space<vmem>>
      %dma_start3A_80 = arith.constant 0 : i32
      %dma_start3A_81 = arith.constant 0 : i32
      %dma_start3A_82 = tpu.memref_slice %arg2[%dma_start3A_80, %dma_start3A_81] : memref<10000x16xf32, #tpu.memory_space<hbm>> -> memref<10000x16xf32, #tpu.memory_space<hbm>>
      tpu.enqueue_indirect_dma source(%dma_start3A_82 : memref<10000x16xf32, #tpu.memory_space<hbm>>) target(%arg9 : memref<128x16xf32, #tpu.memory_space<vmem>>) offsets(%dma_start3A_79 : memref<128xi32, #tpu.memory_space<vmem>>) semaphore(%arg13 : memref<!tpu.dma_semaphore, #tpu.memory_space<semaphore_mem>>)
    }
    %scan3A_27 = arith.constant 40 : i32
    %dma_wait3A = arith.constant 80 : i32
    %dma_wait3A_28 = arith.constant 0 : i32
    %dma_wait3A_29 = tpu.memref_slice %arg6[%dma_wait3A, %dma_wait3A_28] : memref<82x128xi32, #tpu.memory_space<vmem>> -> memref<1x128xi32, #tpu.memory_space<vmem>>
    %dma_wait3A_30 = tpu.memref_squeeze %dma_wait3A_29 : memref<1x128xi32, #tpu.memory_space<vmem>> -> memref<128xi32, #tpu.memory_space<vmem>>
    %dma_wait3A_31 = arith.constant 0 : i32
    %dma_wait3A_32 = arith.constant 0 : i32
    %dma_wait3A_33 = tpu.memref_slice %arg2[%dma_wait3A_31, %dma_wait3A_32] : memref<10000x16xf32, #tpu.memory_space<hbm>> -> memref<10000x16xf32, #tpu.memory_space<hbm>>
    tpu.wait_indirect_dma semaphore(%arg12 : memref<!tpu.dma_semaphore, #tpu.memory_space<semaphore_mem>>) src(%dma_wait3A_33 : memref<10000x16xf32, #tpu.memory_space<hbm>>) dst(%arg8 : memref<128x16xf32, #tpu.memory_space<vmem>>)
    %dma_wait3A_34 = arith.constant 81 : i32
    %dma_wait3A_35 = arith.constant 0 : i32
    %dma_wait3A_36 = tpu.memref_slice %arg6[%dma_wait3A_34, %dma_wait3A_35] : memref<82x128xi32, #tpu.memory_space<vmem>> -> memref<1x128xi32, #tpu.memory_space<vmem>>
    %dma_wait3A_37 = tpu.memref_squeeze %dma_wait3A_36 : memref<1x128xi32, #tpu.memory_space<vmem>> -> memref<128xi32, #tpu.memory_space<vmem>>
    %dma_wait3A_38 = arith.constant 0 : i32
    %dma_wait3A_39 = arith.constant 0 : i32
    %dma_wait3A_40 = tpu.memref_slice %arg2[%dma_wait3A_38, %dma_wait3A_39] : memref<10000x16xf32, #tpu.memory_space<hbm>> -> memref<10000x16xf32, #tpu.memory_space<hbm>>
    tpu.wait_indirect_dma semaphore(%arg13 : memref<!tpu.dma_semaphore, #tpu.memory_space<semaphore_mem>>) src(%dma_wait3A_40 : memref<10000x16xf32, #tpu.memory_space<hbm>>) dst(%arg9 : memref<128x16xf32, #tpu.memory_space<vmem>>)
    %barrier3A_41 = arith.constant 0 : index
    tpu.barrier barrier_id(%barrier3A_41)
    %mul3A_42 = arith.constant 632 : i32
    %mul3A_43 = arith.muli %arg1, %mul3A_42 : i32
    "tpu.region"() ({
      %run_scoped3A = tpu.sem_alloc : memref<!tpu.dma_semaphore, #tpu.memory_space<semaphore_mem>>
      %dma_start3A_46 = arith.constant 0 : i32
      %dma_start3A_47 = tpu.memref_slice %arg11[%mul3A_43, %dma_start3A_46] : memref<10112x16xf32, #tpu.memory_space<vmem_shared>> -> memref<632x16xf32, #tpu.memory_space<vmem_shared>>
      %dma_start3A_48 = arith.constant 0 : i32
      %dma_start3A_49 = tpu.memref_slice %arg11[%mul3A_43, %dma_start3A_48] : memref<10112x16xf32, #tpu.memory_space<vmem_shared>> -> memref<632x16xf32, #tpu.memory_space<vmem_shared>>
      tpu.enqueue_dma source(%dma_start3A_49 : memref<632x16xf32, #tpu.memory_space<vmem_shared>>) target(%arg10 : memref<632x16xf32, #tpu.memory_space<vmem>>) target_semaphore(%run_scoped3A : memref<!tpu.dma_semaphore, #tpu.memory_space<semaphore_mem>>)
      %dma_wait3A_50 = arith.constant 0 : i32
      %dma_wait3A_51 = tpu.memref_slice %arg11[%mul3A_43, %dma_wait3A_50] : memref<10112x16xf32, #tpu.memory_space<vmem_shared>> -> memref<632x16xf32, #tpu.memory_space<vmem_shared>>
      %dma_wait3A_52 = arith.constant 0 : i32
      %dma_wait3A_53 = tpu.memref_slice %arg11[%mul3A_43, %dma_wait3A_52] : memref<10112x16xf32, #tpu.memory_space<vmem_shared>> -> memref<632x16xf32, #tpu.memory_space<vmem_shared>>
      tpu.wait_dma2 semaphore(%run_scoped3A : memref<!tpu.dma_semaphore, #tpu.memory_space<semaphore_mem>>) src(%dma_wait3A_53 : memref<632x16xf32, #tpu.memory_space<vmem_shared>>) dst(%arg10 : memref<632x16xf32, #tpu.memory_space<vmem>>)
      tpu.yield
    }) : () -> ()
    %mul3A_44 = arith.constant 632 : i32
    %mul3A_45 = arith.muli %arg1, %mul3A_44 : i32
    "tpu.region"() ({
      %run_scoped3A = tpu.sem_alloc : memref<!tpu.dma_semaphore, #tpu.memory_space<semaphore_mem>>
      %dma_start3A_46 = arith.constant 0 : i32
      %dma_start3A_47 = tpu.memref_slice %arg5[%arg0, %mul3A_45, %dma_start3A_46] : memref<2x10112x16xf32, #tpu.memory_space<hbm>> -> memref<1x632x16xf32, #tpu.memory_space<hbm>>
      %dma_start3A_48 = tpu.memref_squeeze %dma_start3A_47 : memref<1x632x16xf32, #tpu.memory_space<hbm>> -> memref<632x16xf32, #tpu.memory_space<hbm>>
      %dma_start3A_49 = arith.constant 0 : i32
      %dma_start3A_50 = tpu.memref_slice %arg5[%arg0, %mul3A_45, %dma_start3A_49] : memref<2x10112x16xf32, #tpu.memory_space<hbm>> -> memref<1x632x16xf32, #tpu.memory_space<hbm>>
      %dma_start3A_51 = tpu.memref_squeeze %dma_start3A_50 : memref<1x632x16xf32, #tpu.memory_space<hbm>> -> memref<632x16xf32, #tpu.memory_space<hbm>>
      tpu.enqueue_dma source(%arg10 : memref<632x16xf32, #tpu.memory_space<vmem>>) target(%dma_start3A_51 : memref<632x16xf32, #tpu.memory_space<hbm>>) target_semaphore(%run_scoped3A : memref<!tpu.dma_semaphore, #tpu.memory_space<semaphore_mem>>)
      %dma_wait3A_52 = arith.constant 0 : i32
      %dma_wait3A_53 = tpu.memref_slice %arg5[%arg0, %mul3A_45, %dma_wait3A_52] : memref<2x10112x16xf32, #tpu.memory_space<hbm>> -> memref<1x632x16xf32, #tpu.memory_space<hbm>>
      %dma_wait3A_54 = tpu.memref_squeeze %dma_wait3A_53 : memref<1x632x16xf32, #tpu.memory_space<hbm>> -> memref<632x16xf32, #tpu.memory_space<hbm>>
      %dma_wait3A_55 = arith.constant 0 : i32
      %dma_wait3A_56 = tpu.memref_slice %arg5[%arg0, %mul3A_45, %dma_wait3A_55] : memref<2x10112x16xf32, #tpu.memory_space<hbm>> -> memref<1x632x16xf32, #tpu.memory_space<hbm>>
      %dma_wait3A_57 = tpu.memref_squeeze %dma_wait3A_56 : memref<1x632x16xf32, #tpu.memory_space<hbm>> -> memref<632x16xf32, #tpu.memory_space<hbm>>
      tpu.wait_dma2 semaphore(%run_scoped3A : memref<!tpu.dma_semaphore, #tpu.memory_space<semaphore_mem>>) src(%arg10 : memref<632x16xf32, #tpu.memory_space<vmem>>) dst(%dma_wait3A_57 : memref<632x16xf32, #tpu.memory_space<hbm>>)
      tpu.yield
    }) : () -> ()
    return
  }
}

module attributes {stable_mosaic.version = 14 : i64} {
  func.func @_tca_body(%arg0: memref<32x10240xf32, #tpu.memory_space<vmem>>, %arg1: memref<10000x128xf32, #tpu.memory_space<vmem>>, %arg2: memref<128x16xf32, #tpu.memory_space<vmem>>, %arg3: memref<10000x1xf32, #tpu.memory_space<vmem>>, %arg4: memref<10000x16xf32, #tpu.memory_space<vmem>>) attributes {dimension_semantics = [], scalar_prefetch = 0 : i64, scratch_operands = 0 : i64, tpu.core_type = #tpu.core_type<tc>} {
    %get3A = arith.constant 0 : index
    %get3A_0 = arith.constant 0 : index
    %get3A_1 = vector.load %arg0[%get3A, %get3A_0] : memref<32x10240xf32, #tpu.memory_space<vmem>>, vector<32x10240xf32>
    %reduce_sum3A = arith.constant dense<0.000000e+00> : vector<10240xf32>
    %reduce_sum3A_2 = vector.multi_reduction <add>, %get3A_1, %reduce_sum3A [0] : vector<32x10240xf32> to vector<10240xf32>
    %add3A = arith.constant 1.000000e+00 : f32
    %add3A_3 = vector.broadcast %add3A : f32 to vector<10240xf32>
    %add3A_4 = arith.addf %reduce_sum3A_2, %add3A_3 : vector<10240xf32>
    %rsqrt3A = math.rsqrt %add3A_4 : vector<10240xf32>
    %slice3A = vector.extract_strided_slice %rsqrt3A {offsets = [0], sizes = [10000], strides = [1]} : vector<10240xf32> to vector<10000xf32>
    %broadcast_in_dim3A = vector.shape_cast %slice3A : vector<10000xf32> to vector<10000x1xf32>
    %swap3A = arith.constant 0 : index
    %swap3A_5 = arith.constant 0 : index
    %swap3A_6 = vector.load %arg3[%swap3A, %swap3A_5] : memref<10000x1xf32, #tpu.memory_space<vmem>>, vector<10000x1xf32>
    tpu.vector_store %arg3[%swap3A, %swap3A_5], %broadcast_in_dim3A {strides = array<i32>} : memref<10000x1xf32, #tpu.memory_space<vmem>>, vector<10000x1xf32>,
    %get3A_7 = arith.constant 0 : index
    %get3A_8 = arith.constant 0 : index
    %get3A_9 = vector.load %arg1[%get3A_7, %get3A_8] : memref<10000x128xf32, #tpu.memory_space<vmem>>, vector<10000x128xf32>
    %get3A_10 = arith.constant 0 : index
    %get3A_11 = arith.constant 0 : index
    %get3A_12 = vector.load %arg2[%get3A_10, %get3A_11] : memref<128x16xf32, #tpu.memory_space<vmem>>, vector<128x16xf32>
    %dot_general3A = arith.constant dense<0.000000e+00> : vector<10000x16xf32>
    %dot_general3A_13 = tpu.matmul %get3A_9, %get3A_12, %dot_general3A {dimension_numbers = #tpu.dot_dimension_numbers<[1], [0], [0], [1], [0, 0, 1, 1], [], []>, transpose_lhs_hint = false} : vector<10000x128xf32>, vector<128x16xf32>, vector<10000x16xf32> -> vector<10000x16xf32>
    %mul3A = vector.broadcast %broadcast_in_dim3A : vector<10000x1xf32> to vector<10000x16xf32>
    %mul3A_14 = arith.mulf %dot_general3A_13, %mul3A : vector<10000x16xf32>
    %swap3A_15 = arith.constant 0 : index
    %swap3A_16 = arith.constant 0 : index
    %swap3A_17 = vector.load %arg4[%swap3A_15, %swap3A_16] : memref<10000x16xf32, #tpu.memory_space<vmem>>, vector<10000x16xf32>
    tpu.vector_store %arg4[%swap3A_15, %swap3A_16], %mul3A_14 {strides = array<i32>} : memref<10000x16xf32, #tpu.memory_space<vmem>>, vector<10000x16xf32>,
    return
  }
}

module attributes {stable_mosaic.version = 14 : i64} {
  func.func @_tcb_body(%arg0: memref<10000x1xf32, #tpu.memory_space<vmem>>, %arg1: memref<2x10112x16xf32, #tpu.memory_space<vmem>>, %arg2: memref<10000x16xf32, #tpu.memory_space<vmem>>, %arg3: memref<1x16xf32, #tpu.memory_space<vmem>>, %arg4: memref<10000x16xf32, #tpu.memory_space<vmem>>) attributes {dimension_semantics = [], scalar_prefetch = 0 : i64, scratch_operands = 0 : i64, tpu.core_type = #tpu.core_type<tc>} {
    %get3A = arith.constant 0 : index
    %get3A_0 = arith.constant 0 : index
    %get3A_1 = vector.load %arg0[%get3A, %get3A_0] : memref<10000x1xf32, #tpu.memory_space<vmem>>, vector<10000x1xf32>
    %get3A_2 = arith.constant 0 : index
    %get3A_3 = arith.constant 0 : index
    %get3A_4 = arith.constant 0 : index
    %get3A_5 = vector.load %arg1[%get3A_2, %get3A_3, %get3A_4] : memref<2x10112x16xf32, #tpu.memory_space<vmem>>, vector<1x10000x16xf32>
    %get3A_6 = vector.shape_cast %get3A_5 : vector<1x10000x16xf32> to vector<10000x16xf32>
    %get3A_7 = arith.constant 1 : index
    %get3A_8 = arith.constant 0 : index
    %get3A_9 = arith.constant 0 : index
    %get3A_10 = vector.load %arg1[%get3A_7, %get3A_8, %get3A_9] : memref<2x10112x16xf32, #tpu.memory_space<vmem>>, vector<1x10000x16xf32>
    %get3A_11 = vector.shape_cast %get3A_10 : vector<1x10000x16xf32> to vector<10000x16xf32>
    %add3A = arith.addf %get3A_6, %get3A_11 : vector<10000x16xf32>
    %get3A_12 = arith.constant 0 : index
    %get3A_13 = arith.constant 0 : index
    %get3A_14 = vector.load %arg2[%get3A_12, %get3A_13] : memref<10000x16xf32, #tpu.memory_space<vmem>>, vector<10000x16xf32>
    %add3A_15 = arith.addf %add3A, %get3A_14 : vector<10000x16xf32>
    %mul3A = vector.broadcast %get3A_1 : vector<10000x1xf32> to vector<10000x16xf32>
    %mul3A_16 = arith.mulf %add3A_15, %mul3A : vector<10000x16xf32>
    %get3A_17 = arith.constant 0 : index
    %get3A_18 = arith.constant 0 : index
    %get3A_19 = vector.load %arg3[%get3A_17, %get3A_18] : memref<1x16xf32, #tpu.memory_space<vmem>>, vector<1x16xf32>
    %add3A_20 = vector.broadcast %get3A_19 : vector<1x16xf32> to vector<10000x16xf32>
    %add3A_21 = arith.addf %mul3A_16, %add3A_20 : vector<10000x16xf32>
    %max3A = arith.constant 0.000000e+00 : f32
    %max3A_22 = vector.broadcast %max3A : f32 to vector<10000x16xf32>
    %max3A_23 = arith.maximumf %add3A_21, %max3A_22 : vector<10000x16xf32>
    %mul3A_24 = vector.broadcast %get3A_1 : vector<10000x1xf32> to vector<10000x16xf32>
    %mul3A_25 = arith.mulf %max3A_23, %mul3A_24 : vector<10000x16xf32>
    %swap3A = arith.constant 0 : index
    %swap3A_26 = arith.constant 0 : index
    %swap3A_27 = vector.load %arg4[%swap3A, %swap3A_26] : memref<10000x16xf32, #tpu.memory_space<vmem>>, vector<10000x16xf32>
    tpu.vector_store %arg4[%swap3A, %swap3A_26], %mul3A_25 {strides = array<i32>} : memref<10000x16xf32, #tpu.memory_space<vmem>>, vector<10000x16xf32>,
    return
  }
}

module attributes {stable_mosaic.version = 14 : i64} {
  func.func @_tcc_body(%arg0: memref<10000x1xf32, #tpu.memory_space<vmem>>, %arg1: memref<2x10112x16xf32, #tpu.memory_space<vmem>>, %arg2: memref<10000x16xf32, #tpu.memory_space<vmem>>, %arg3: memref<16x40xf32, #tpu.memory_space<vmem>>, %arg4: memref<1x40xf32, #tpu.memory_space<vmem>>, %arg5: memref<10000x40xf32, #tpu.memory_space<vmem>>) attributes {dimension_semantics = [], scalar_prefetch = 0 : i64, scratch_operands = 0 : i64, tpu.core_type = #tpu.core_type<tc>} {
    %get3A = arith.constant 0 : index
    %get3A_0 = arith.constant 0 : index
    %get3A_1 = arith.constant 0 : index
    %get3A_2 = vector.load %arg1[%get3A, %get3A_0, %get3A_1] : memref<2x10112x16xf32, #tpu.memory_space<vmem>>, vector<1x10000x16xf32>
    %get3A_3 = vector.shape_cast %get3A_2 : vector<1x10000x16xf32> to vector<10000x16xf32>
    %get3A_4 = arith.constant 1 : index
    %get3A_5 = arith.constant 0 : index
    %get3A_6 = arith.constant 0 : index
    %get3A_7 = vector.load %arg1[%get3A_4, %get3A_5, %get3A_6] : memref<2x10112x16xf32, #tpu.memory_space<vmem>>, vector<1x10000x16xf32>
    %get3A_8 = vector.shape_cast %get3A_7 : vector<1x10000x16xf32> to vector<10000x16xf32>
    %add3A = arith.addf %get3A_3, %get3A_8 : vector<10000x16xf32>
    %get3A_9 = arith.constant 0 : index
    %get3A_10 = arith.constant 0 : index
    %get3A_11 = vector.load %arg2[%get3A_9, %get3A_10] : memref<10000x16xf32, #tpu.memory_space<vmem>>, vector<10000x16xf32>
    %add3A_12 = arith.addf %add3A, %get3A_11 : vector<10000x16xf32>
    %get3A_13 = arith.constant 0 : index
    %get3A_14 = arith.constant 0 : index
    %get3A_15 = vector.load %arg3[%get3A_13, %get3A_14] : memref<16x40xf32, #tpu.memory_space<vmem>>, vector<16x40xf32>
    %dot_general3A = arith.constant dense<0.000000e+00> : vector<10000x40xf32>
    %dot_general3A_16 = tpu.matmul %add3A_12, %get3A_15, %dot_general3A {dimension_numbers = #tpu.dot_dimension_numbers<[1], [0], [0], [1], [0, 0, 1, 1], [], []>, transpose_lhs_hint = false} : vector<10000x16xf32>, vector<16x40xf32>, vector<10000x40xf32> -> vector<10000x40xf32>
    %get3A_17 = arith.constant 0 : index
    %get3A_18 = arith.constant 0 : index
    %get3A_19 = vector.load %arg0[%get3A_17, %get3A_18] : memref<10000x1xf32, #tpu.memory_space<vmem>>, vector<10000x1xf32>
    %mul3A = vector.broadcast %get3A_19 : vector<10000x1xf32> to vector<10000x40xf32>
    %mul3A_20 = arith.mulf %dot_general3A_16, %mul3A : vector<10000x40xf32>
    %get3A_21 = arith.constant 0 : index
    %get3A_22 = arith.constant 0 : index
    %get3A_23 = vector.load %arg4[%get3A_21, %get3A_22] : memref<1x40xf32, #tpu.memory_space<vmem>>, vector<1x40xf32>
    %add3A_24 = vector.broadcast %get3A_23 : vector<1x40xf32> to vector<10000x40xf32>
    %add3A_25 = arith.addf %mul3A_20, %add3A_24 : vector<10000x40xf32>
    %reduce_max3A = arith.constant dense<0xFF800000> : vector<10000xf32>
    %reduce_max3A_26 = vector.multi_reduction <maximumf>, %add3A_25, %reduce_max3A [1] : vector<10000x40xf32> to vector<10000xf32>
    %broadcast_in_dim3A = vector.shape_cast %reduce_max3A_26 : vector<10000xf32> to vector<10000x1xf32>
    %sub3A = vector.broadcast %broadcast_in_dim3A : vector<10000x1xf32> to vector<10000x40xf32>
    %sub3A_27 = arith.subf %add3A_25, %sub3A : vector<10000x40xf32>
    %exp3A = math.exp %sub3A_27 : vector<10000x40xf32>
    %reduce_sum3A = arith.constant dense<0.000000e+00> : vector<10000xf32>
    %reduce_sum3A_28 = vector.multi_reduction <add>, %exp3A, %reduce_sum3A [1] : vector<10000x40xf32> to vector<10000xf32>
    %broadcast_in_dim3A_29 = vector.shape_cast %reduce_sum3A_28 : vector<10000xf32> to vector<10000x1xf32>
    %log3A = math.log %broadcast_in_dim3A_29 : vector<10000x1xf32>
    %add3A_30 = arith.addf %log3A, %broadcast_in_dim3A : vector<10000x1xf32>
    %sub3A_31 = vector.broadcast %add3A_30 : vector<10000x1xf32> to vector<10000x40xf32>
    %sub3A_32 = arith.subf %add3A_25, %sub3A_31 : vector<10000x40xf32>
    %swap3A = arith.constant 0 : index
    %swap3A_33 = arith.constant 0 : index
    %swap3A_34 = vector.load %arg5[%swap3A, %swap3A_33] : memref<10000x40xf32, #tpu.memory_space<vmem>>, vector<10000x40xf32>
    tpu.vector_store %arg5[%swap3A, %swap3A_33], %sub3A_32 {strides = array<i32>} : memref<10000x40xf32, #tpu.memory_space<vmem>>, vector<10000x40xf32>,
    return
  }
}

</mosaic_0001>

<sc_bundles>
// kernel: kernel.11.cloned.1.call-start
scs
__scs_entry_jumppad:
0x0: {  	(pc) =	sbr.rel $0x88, $3  }
0x1: {  	(tag) =	ssettag $0x0;
	lr =	simm.s32 $0x1  }
0x2: {  	[smem:$0x3F9B] =	sst lr;
	_ =	strace $0xD0000000  }
0x3: {  	_ = 	snop  }
0x4: {  	_ = 	snop  }
0x5: {  	_ = 	snop  }
0x6: {  	_ = 	snop  }
0x7: {  	_ = 	snop  }
__scs_overlays_trampoline_lowered:
0x8: {  	[smem:$0x3FAA] =	sst s0  }
0x9: {  	[smem:$0x3FAB] =	sst s1  }
0xa: {  	[smem:$0x3FAC] =	sst s2  }
0xb: {  	[smem:$0x3FAD] =	sst s3  }
0xc: {  	[smem:$0x3FAE] =	sst s4  }
0xd: {  	[smem:$0x3FAF] =	sst s5  }
0xe: {  	[smem:$0x3FB0] =	sst s6  }
0xf: {  	[smem:$0x3FB1] =	sst s7  }
0x10: {  	[smem:$0x3FB2] =	sst s8  }
0x11: {  	[smem:$0x3FB3] =	sst s9;
	s0 =	simm.s32 @!p0 $0x0  }
0x12: {  	s1 =	sld [smem:$0x3F99];
	s0 =	simm.s32 @p0 $0x1  }
0x13: {  	[smem:$0x3FB4] =	sst s0;
	s0 =	simm.s32 @!p1 $0x0  }
0x14: {  	s2 =	sld [smem:$0x3F98];
	s0 =	simm.s32 @p1 $0x1  }
0x15: {  	[smem:$0x3FB5] =	sst s0;
	s0 =	simm.s32 @!p2 $0x0  }
0x16: {  	s3 =	sld [smem:$0x3FDB];
	s0 =	simm.s32 @p2 $0x1  }
0x17: {  	s4 =	simm.s32 $0x1BF5;
	[smem:$0x3FB7] =	sst s0  }
0x18: {  	s0 =	sld [smem:$0x3F9A];
	_ =	swait.ge [sflag:s4], $0x0  }
0x19: {  	s7 =	sld [smem:$0x3F9B]  }
0x1a: {  	s8 =	sadd.s32 $0xFFFFE003, lr  }
0x1b: {  	s9 =	sadd.s32 $0xFFFFFEF7, lr;
	s5 =	simm.s32 $0xFFFFFFFF;
	p2 =	slt.u32 s8, $0xFFFFF086  }
0x1c: {  	p1 =	slt.u32 s9, $0xF7A;
	s5 =	simm.s32 @!p2 $0x0  }
0x1d: {  	s5 =	simm.s32 @p1 $0x1;
	p0 =	seq.s32 s7, s2  }
0x1e: {  	s7 =	smul.u32 @!p0 $0xF7A, s2;
	p2 =	seq.s32 @!p0 s5, $0x0  }
0x1f: {  	s9 =	smul.u32 $0xF7A, s1;
	s8 =	simm.s32 @!p0 $0x1BF5;
	p2 =	por !p2, p0  }
0x20: {  	[sflag:s8] =	ssyncset.s32 @!p0 $0xFFFFF086;
	s6 =	sadd.s32 @!p0 s3, s7;
	s7 =	simm.s32 @!p0 $0x108  }
0x21: {  	s3 =	sadd.s32 s3, s9;
	s6 =	sadd.s32 @!p0 $0x88, s6;
	s7 =	simm.s32 @p2 $0x1082  }
0x22: {  	[simem:s7], [sflag:s8] =	dma.local @!p0 [hbm:s6], $0xF7A  }
0x23: {  	s9 =	sor.u32 $0xD0000000, s2;
	s6 =	simm.s32 $0x108;
	_ =	swait.ge @!p0 [sflag:s8], $0x0  }
0x24: {  	s3 =	sadd.s32 $0x88, s3;
	s6 =	simm.s32 @!p1 $0x1082;
	[sflag:s4] =	ssyncset.s32 $0xFFFFF086  }
0x25: {  	[simem:s6], [sflag:s4] =	dma.local [hbm:s3], $0xF7A  }
0x26: {  	[smem:$0x3F9B] =	sst s1;
	(tag) =	ssettag s2;
	_ =	strace s9  }
0x27: {  	s1 =	sld [smem:$0x3FAB]  }
0x28: {  	s2 =	sld [smem:$0x3FAC]  }
0x29: {  	s4 =	sld [smem:$0x3FAE]  }
0x2a: {  	p0 =	seq.s32 s5, $0x0;
	s5 =	sld [smem:$0x3FAF]  }
0x2b: {  	s6 =	sld [smem:$0x3FB0]  }
0x2c: {  	s7 =	sld [smem:$0x3FB1]  }
0x2d: {  	s3 =	simm.s32 $0x108;
	s8 =	sld [smem:$0x3FB2]  }
0x2e: {  	s3 =	simm.s32 @!p0 $0x1082;
	s9 =	sld [smem:$0x3FB3]  }
0x2f: {  	lr =	sadd.s32 s0, s3;
	s0 =	sld [smem:$0x3FAA]  }
0x30: {  	s3 =	sld [smem:$0x3FAD]  }
0x31: {  	[smem:$0x3FB6] =	sst s10  }
0x32: {  	s10 =	sld [smem:$0x3FB4];
	_ =	sdelay $0x3  }
0x33: {  	p0 =	seq.s32 s10, $0x1;
	s10 =	sld [smem:$0x3FB6];
	_ =	sdelay $0x3  }
0x34: {  	[smem:$0x3FB6] =	sst s10  }
0x35: {  	s10 =	sld [smem:$0x3FB5];
	_ =	sdelay $0x3  }
0x36: {  	p1 =	seq.s32 s10, $0x1;
	s10 =	sld [smem:$0x3FB6];
	_ =	sdelay $0x3  }
0x37: {  	[smem:$0x3FB6] =	sst s10  }
0x38: {  	s10 =	sld [smem:$0x3FB7]  }
0x39: {  	_ = 	snop;
	(pc) =	sbr.ind lr, $3  }
0x3a: {  	_ = 	snop  }
0x3b: {  	_ = 	snop  }
0x3c: {  	p2 =	seq.s32 s10, $0x1;
	s10 =	sld [smem:$0x3FB6]  }
0x3d: {  	_ =	shalt  }
0x3e: {  	_ =	shalt  }
0x3f: {  	_ =	shalt  }
0x40: {  	_ =	shalt  }
0x41: {  	_ =	shalt  }
0x42: {  	_ =	shalt  }
0x43: {  	_ =	shalt  }
0x44: {  	_ =	shalt  }
0x45: {  	_ =	shalt  }
0x46: {  	_ =	shalt  }
0x47: {  	_ =	shalt  }
0x48: {  	_ =	shalt  }
0x49: {  	_ =	shalt  }
0x4a: {  	_ =	shalt  }
0x4b: {  	_ =	shalt  }
0x4c: {  	_ =	shalt  }
0x4d: {  	_ =	shalt  }
0x4e: {  	_ =	shalt  }
0x4f: {  	_ =	shalt  }
0x50: {  	_ =	shalt  }
0x51: {  	_ =	shalt  }
0x52: {  	_ =	shalt  }
0x53: {  	_ =	shalt  }
0x54: {  	_ =	shalt  }
0x55: {  	_ =	shalt  }
0x56: {  	_ =	shalt  }
0x57: {  	_ =	shalt  }
0x58: {  	_ =	shalt  }
0x59: {  	_ =	shalt  }
0x5a: {  	_ =	shalt  }
0x5b: {  	_ =	shalt  }
0x5c: {  	_ =	shalt  }
0x5d: {  	_ =	shalt  }
0x5e: {  	_ =	shalt  }
0x5f: {  	_ =	shalt  }
0x60: {  	_ =	shalt  }
0x61: {  	_ =	shalt  }
0x62: {  	_ =	shalt  }
0x63: {  	_ =	shalt  }
0x64: {  	_ =	shalt  }
0x65: {  	_ =	shalt  }
0x66: {  	_ =	shalt  }
0x67: {  	_ =	shalt  }
0x68: {  	_ =	shalt  }
0x69: {  	_ =	shalt  }
0x6a: {  	_ =	shalt  }
0x6b: {  	_ =	shalt  }
0x6c: {  	_ =	shalt  }
0x6d: {  	_ =	shalt  }
0x6e: {  	_ =	shalt  }
0x6f: {  	_ =	shalt  }
0x70: {  	_ =	shalt  }
0x71: {  	_ =	shalt  }
0x72: {  	_ =	shalt  }
0x73: {  	_ =	shalt  }
0x74: {  	_ =	shalt  }
0x75: {  	_ =	shalt  }
0x76: {  	_ =	shalt  }
0x77: {  	_ =	shalt  }
0x78: {  	_ =	shalt  }
0x79: {  	_ =	shalt  }
0x7a: {  	_ =	shalt  }
0x7b: {  	_ =	shalt  }
0x7c: {  	_ =	shalt  }
0x7d: {  	_ =	shalt  }
0x7e: {  	_ =	shalt  }
0x7f: {  	_ =	shalt  }
0x80: {  	_ =	shalt  }
0x81: {  	_ =	shalt  }
0x82: {  	_ =	shalt  }
0x83: {  	_ =	shalt  }
0x84: {  	_ =	shalt  }
0x85: {  	_ =	shalt  }
0x86: {  	_ =	shalt  }
0x87: {  	_ =	shalt  }
.Lfunc_end0:
.L_simem_size_0:
called_computation.1_lowered:
.L_overlay_start_0:
0x88: {  	s2 =	sld [smem:$0x3FD9]  }
0x89: {  	s3 =	sld [smem:$0x3FFE];
	_ =	sdelay $0x1  }
0x8a: {  	s1 =	srdreg.scid  }
0x8b: {  	s0 =	sand.u32 $0x1, s1  }
0x8c: {  	s17 =	sshll.u32 s0, $0xA;
	s2 =	sadd.s32 s3, s2  }
0x8d: {  	s2 =	sadd.s32 s2, s17  }
0x8e: {  	[smem:$0x3FC2] =	sst s2  }
0x8f: {  	_ = 	snop  }
0x90: {  	s2 =	sld [smem:$0x3FD0];
	(tm) =	ssettm $0x1  }
0x91: {  	s18 =	sld [smem:$0x3FFB];
	_ =	sdelay $0x3  }
0x92: {  	_ =	strace s18  }
0x93: {  	s3 =	sld [smem:$0x3FFC];
	_ =	sdelay $0x3  }
0x94: {  	_ =	strace s3  }
0x95: {  	s3 =	sld [smem:$0x3FFD];
	_ =	sdelay $0x3  }
0x96: {  	_ =	strace s3  }
0x97: {  	_ =	strace $0x8FFFFFFF  }
0x98: {  	s19 =	sld [smem:$0x3FDB];
	_ =	sdelay $0x1  }
0x99: {  	s4 =	simm.s32 $_scs_section_size  }
0x9a: {  	s5 =	simm.s32 $_size__tile_overlayer_lowered;
	s6 =	simm.s32 $_tile_overlayer_lowered  }
0x9b: {  	s22 =	simm.s32 $0x1BFF;
	s21 =	sshll.u32 s6, $0x1;
	s3 =	sadd.s32 s4, s19  }
0x9c: {  	s7 =	simm.s32 $0x0;
	s20 =	sshll.u32 s5, $0x1;
	s5 =	sadd.s32 s21, s3  }
0x9d: {  	[timem:s7], [sflag:s22] =	dma.local [hbm:s5], s20  }
0x9e: {  	_ =	swait.ge [sflag:s22], s20  }
0x9f: {  	s4 =	ssub.s32 $0x0, s20;
	[sflag:s22] =	ssyncset.done $0x0  }
0xa0: {  	[sflag:s22] =	ssyncadd.s32 s4;
	_ =	sdelay $0x1  }
0xa1: {  	s23 =	simm.s32 $0x1B8B  }
0xa2: {  	_ =	swait.ge [sflag:s23], $0x1  }
0xa3: {  	[sflag:s23] =	ssyncset.done $0x0  }
0xa4: {  	s25 =	simm.s32 $0x1B8E;
	s24 =	sld [smem:$0x3FFE];
	[sflag:s23] =	ssyncadd.s32 $0xFFFFFFFF  }
0xa5: {  	s26 =	simm.s32 $execute0_lowered;
	[smem:$0x3FD2] =	sst s25  }
0xa6: {  	s5 =	sshll.u32 s26, $0x1;
	_ =	strace $0x80000049;
	[dreg:$0x1] =	wrdreg $0xFFFFFFFF  }
0xa7: {  	s28 =	simm.s32 $_size_execute0_lowered;
	s3 =	sadd.s32 s3, s5;
	[dreg:$0x0] =	wrdreg $0x0  }
0xa8: {  	s5 =	sshll.u32 s28, $0x1;
	[dreg:$0x2] =	wrdreg s3  }
0xa9: {  	[dreg:$0x3] =	wrdreg s5  }
0xaa: {  	[dreg:$0x4] =	wrdreg $0xC0  }
0xab: {  	_ =	task [dreg:s7], $0x5FFFF  }
0xac: {  	[dreg:$0x1] =	wrdreg $0xFFFFFFFF  }
0xad: {  	[dreg:$0x0] =	wrdreg $0x60  }
0xae: {  	[dreg:$0x2] =	wrdreg s24  }
0xaf: {  	[dreg:$0x3] =	wrdreg s2  }
0xb0: {  	[dreg:$0x4] =	wrdreg $0x89800  }
0xb1: {  	[dreg:$0x5] =	wrdreg $0x9  }
0xb2: {  	_ =	task.clear_ibuf [dreg:s7], $0x6FFFF;
	_ =	strace $0x90000049  }
0xb3: {  	s29 =	simm.s32 $0x9;
	_ =	strace $0x8000004B  }
0xb4: {  	_ =	swait.ge [sflag:s29], $0x1  }
0xb5: {  	[sflag:s29] =	ssyncadd.s32 $0xFFFFFFFF  }
0xb6: {  	_ =	strace $0x9000004B  }
0xb7: {  	_ =	sfence  }
0xb8: {  	s30 =	sld [smem:$0x0];
	_ =	sdelay $0x2  }
0xb9: {  	s31 =	sshll.u32 s1, $0xD;
	s1 =	sshrl.u32 s1, $0x2  }
0xba: {  	s3 =	sand.u32 $0x4000, s31;
	s1 =	sadd.s32 s1, s30  }
0xbb: {  	s0 =	sor.u32 s3, s0;
	s1 =	sshll.u32 s1, $0x11  }
0xbc: {  	s0 =	sor.u32 s1, s0  }
0xbd: {  	s0 =	sadd.s32 $0x8F2B, s0  }
0xbe: {  	[sflag:s0] =	ssyncadd.remote.s32 $0x1  }
0xbf: {  	_ =	sfence.sel $0xFFFF  }
0xc0: {  	[dreg:$0x0] =	wrdreg $0xFFFFFFFF;
	(pc) =	sbr.abs _section_cstart, $3  }
0xc1: {  	[dreg:$0x1] =	wrdreg $0xFFFFFFFF  }
0xc2: {  	_ =	task.clear_ibuf [dreg:s7], $0x2FFFF;
	_ =	strace $0x9FFFFFFF  }
0xc3: {  	(tm) =	ssettm $0x7FFFFFFF  }
tec
execute0_lowered:
.L_overlay_start_1:
0x0: {  	(tag) =	ssettag $0x1  }
0x1: {  	s5 =	rddreg [dreg:$0x0]  }
0x2: {  	s6 =	rddreg [dreg:$0x1]  }
0x3: {  	s2 =	rddreg [dreg:$0x2];
	s3 =	srdreg.scid  }
0x4: {  	s1 =	stileid.u32;
	s0 =	rddreg [dreg:$0x3];
	s13 =	simm.s32 $0x5200  }
0x5: {  	s14 =	simm.s32 $0x5A00;
	s15 =	simm.s32 $0x6200;
	s16 =	simm.s32 $0x1  }
0x6: {  	s17 =	simm.s32 $0x2;
	s18 =	simm.s32 $0x0;
	s7 =	sand.u32 $0x1, s3  }
0x7: {  	s8 =	smul.u32 $0x2780, s1;
	s3 =	simm.s32 $0x0;
	s4 =	sshll.u32 s7, $0x4  }
0x8: {  	s9 =	smul.u32 $0x27800, s7;
	[smem:$0x7FF] =	sst s3;
	s7 =	ssub.s32 $0x2, s7  }
0x9: {  	s4 =	sor.u32 s1, s4;
	_ =	strace $0x8000004A;
	s31 =	sshrl.u32 s7, $0x1  }
0xa: {  	s10 =	smul.u32 $0x520, s4;
	s9 =	sadd.s32 s8, s9;
	s4 =	sadd.s32 $0x1800, s5  }
0xb: {  	s12 =	ssub.s32 s7, s31;
	s7 =	sadd.s32 s8, s2;
	s9 =	sshrl.u32 s9, $0x3  }
0xc: {  	s11 =	sadd.s32 s10, s5;
	s9 =	sadd.s32 s9, s5;
	s5 =	sadd.s32 s6, s10  }
0xd: {  	s10 =	simm.s32 $0x3;
	s6 =	sadd.s32 $0x15800, s11;
	s8 =	sadd.s32 $0x6800, s9  }
0xe: {  	v0 =	vimm.f32 $0.0e+00;
	s9 =	smax.u32 s12, $0x1;
	s11 =	simm.s32 $0x2900;
	s12 =	simm.s32 $0x80  }
.LBB2_1:
0xf: {  	[tilespmem:s3], [sflag:$0x3] =	stream.linear.gather [hbm4b:s5+s3], $0x2900, $0x38;
	[tilespmem:$0xB100] =	vst v63  }
0x10: {  	_ =	swait.ge [sflag:s10], $0x2900  }
0x11: {  	[sflag:s10] =	ssyncset.done $0x0  }
0x12: {  	[sflag:s10] =	ssyncadd.s32 $0xFFFFD700  }
0x13: {  	[tilespmem:s11], [sflag:$0x3] =	stream.linear.gather [hbm4b:s6+s3], $0x2900, $0x38;
	[tilespmem:$0xB100] =	vst v63  }
0x14: {  	_ =	swait.ge [sflag:s10], $0x2900  }
0x15: {  	[sflag:s10] =	ssyncset.done $0x0  }
0x16: {  	[sflag:s10] =	ssyncadd.s32 $0xFFFFD700  }
0x17: {  	[tilespmem:s13], [sflag:$0x1] =	stream.indirect.gather [hbm4b:s4+s12], $0x10, s3, s12, $0xb8;
	[tilespmem:$0xB100] =	vst v63  }
0x18: {  	s19 =	simm.s32 $0x40;
	s20 =	simm.s32 $0x0  }
0x19: {  	[tilespmem:s14], [sflag:$0x2] =	stream.indirect.gather [hbm4b:s4+s12], $0x10, s12, s12, $0xb8;
	[tilespmem:$0xB100] =	vst v63  }
.LBB2_2:
0x1a: {  	p0 =	sne.s32 s19, $0x9DC0;
	[tilespmem:s20+$0x6200] =	vst v0;
	s20 =	smov.u32 s19;
	s19 =	sadd.s32 $0x40, s19  }
.Ltmp0:
0x1b: {  	(pc) =	sbr.rel @p0 .LBB2_2-.Ltmp0, $2  }
0x1c: {  	_ =	sdelay $0x2  }
0x1d: {  	s20 =	sshra.s32 s20, $0x2  }
0x1e: {  	[tilespmem:s20+$0x6200] =	vst v0  }
0x1f: {  	[spmem:s7] =	stream.linear.scatter [tilespmem:s15], [sflag:$0x3], $0x2780, $0x38;
	[tilespmem:$0xB100] =	vst v63  }
0x20: {  	_ =	swait.ge [sflag:s10], $0x2780  }
0x21: {  	[sflag:s10] =	ssyncset.done $0x0  }
0x22: {  	[sflag:s10] =	ssyncadd.s32 $0xFFFFD880  }
0x23: {  	[bflag:$0x0] =	sbarrier.arrive $0xFFFF  }
0x24: {  	_ =	swait.ge [sflag:s16], $0x800  }
0x25: {  	[sflag:s16] =	ssyncset.done $0x0  }
0x26: {  	s19 =	simm.s32 $0x2900;
	[sflag:s16] =	ssyncadd.s32 $0xFFFFF800  }
0x27: {  	[spmem:s2] =	stream.indirect.scatter.add.f32 [tilespmem:s13], [sflag:$0x3], $0x10, s19, s12, $0xb8;
	[tilespmem:$0xB100] =	vst v63  }
0x28: {  	_ =	swait.ge [sflag:s10], $0x800  }
0x29: {  	[sflag:s10] =	ssyncset.done $0x0  }
0x2a: {  	s30 =	simm.s32 $0x100;
	[sflag:s10] =	ssyncadd.s32 $0xFFFFF800  }
0x2b: {  	[tilespmem:s13], [sflag:$0x1] =	stream.indirect.gather [hbm4b:s4+s12], $0x10, s30, s12, $0xb8;
	[tilespmem:$0xB100] =	vst v63  }
0x2c: {  	_ =	swait.ge [sflag:s17], $0x800  }
0x2d: {  	[sflag:s17] =	ssyncset.done $0x0  }
0x2e: {  	s31 =	simm.s32 $0x2980;
	[sflag:s17] =	ssyncadd.s32 $0xFFFFF800  }
0x2f: {  	[spmem:s2] =	stream.indirect.scatter.add.f32 [tilespmem:s14], [sflag:$0x3], $0x10, s31, s12, $0xb8;
	[tilespmem:$0xB100] =	vst v63  }
0x30: {  	_ =	swait.ge [sflag:s10], $0x800  }
0x31: {  	[sflag:s10] =	ssyncset.done $0x0  }
0x32: {  	s20 =	simm.s32 $0x180;
	s19 =	simm.s32 $0x400;
	[sflag:s10] =	ssyncadd.s32 $0xFFFFF800  }
.LBB2_4:
0x33: {  	[tilespmem:s14], [sflag:$0x2] =	stream.indirect.gather [hbm4b:s4+s12], $0x10, s20, s12, $0xb8;
	[tilespmem:$0xB100] =	vst v63  }
0x34: {  	s20 =	smov.u32 s19  }
0x35: {  	p0 =	sne.s32 s19, $0x9C00;
	s19 =	sadd.s32 $0x400, s19;
	_ =	swait.ge [sflag:s16], $0x800  }
0x36: {  	s20 =	sshra.s32 s20, $0x2;
	[sflag:s16] =	ssyncset.done $0x0  }
0x37: {  	s21 =	sadd.s32 $0x2900, s20;
	[sflag:s16] =	ssyncadd.s32 $0xFFFFF800  }
0x38: {  	[spmem:s2] =	stream.indirect.scatter.add.f32 [tilespmem:s13], [sflag:$0x3], $0x10, s21, s12, $0xb8;
	[tilespmem:$0xB100] =	vst v63  }
0x39: {  	_ =	swait.ge [sflag:s10], $0x800  }
0x3a: {  	[sflag:s10] =	ssyncset.done $0x0  }
0x3b: {  	s21 =	sadd.s32 $0x100, s20;
	[sflag:s10] =	ssyncadd.s32 $0xFFFFF800  }
0x3c: {  	[tilespmem:s13], [sflag:$0x1] =	stream.indirect.gather [hbm4b:s4+s12], $0x10, s21, s12, $0xb8;
	[tilespmem:$0xB100] =	vst v63  }
0x3d: {  	_ =	swait.ge [sflag:s17], $0x800  }
0x3e: {  	[sflag:s17] =	ssyncset.done $0x0  }
.Ltmp1:
0x3f: {  	s21 =	sadd.s32 $0x2980, s20;
	[sflag:s17] =	ssyncadd.s32 $0xFFFFF800;
	(pc) =	sbr.rel @p0 .LBB2_4-.Ltmp1, $4  }
0x40: {  	[spmem:s2] =	stream.indirect.scatter.add.f32 [tilespmem:s14], [sflag:$0x3], $0x10, s21, s12, $0xb8;
	[tilespmem:$0xB100] =	vst v63  }
0x41: {  	_ =	swait.ge [sflag:s10], $0x800  }
0x42: {  	[sflag:s10] =	ssyncset.done $0x0  }
0x43: {  	s20 =	sadd.s32 $0x180, s20;
	[sflag:s10] =	ssyncadd.s32 $0xFFFFF800  }
0x44: {  	[tilespmem:s14], [sflag:$0x2] =	stream.indirect.gather [hbm4b:s4+s12], $0x10, s20, s12, $0xb8;
	[tilespmem:$0xB100] =	vst v63  }
0x45: {  	_ =	swait.ge [sflag:s16], $0x800  }
0x46: {  	[sflag:s16] =	ssyncset.done $0x0  }
0x47: {  	[sflag:s16] =	ssyncadd.s32 $0xFFFFF800  }
0x48: {  	_ =	swait.ge [sflag:s17], $0x800  }
0x49: {  	[sflag:s17] =	ssyncset.done $0x0  }
0x4a: {  	[sflag:s17] =	ssyncadd.s32 $0xFFFFF800  }
0x4b: {  	[bflag:$0x0] =	sbarrier.arrive $0xFFFF  }
0x4c: {  	[tilespmem:s15], [sflag:$0x3] =	stream.linear.gather [spmem:s7], $0x2780, $0x38;
	[tilespmem:$0xB100] =	vst v63  }
0x4d: {  	s18 =	sadd.s32 $0x1, s18;
	_ =	swait.ge [sflag:s10], $0x2780  }
0x4e: {  	p0 =	sne.s32 s18, s9;
	[sflag:s10] =	ssyncset.done $0x0  }
.Ltmp2:
0x4f: {  	[sflag:s10] =	ssyncadd.s32 $0xFFFFD880;
	(pc) =	sbr.rel @p0 .LBB2_1-.Ltmp2, $4  }
0x50: {  	[hbm4b:s8+s3] =	stream.linear.scatter [tilespmem:s15], [sflag:$0x3], $0x2780, $0x38;
	[tilespmem:$0xB100] =	vst v63  }
0x51: {  	_ =	swait.ge [sflag:s10], $0x2780  }
0x52: {  	[sflag:s10] =	ssyncset.done $0x0  }
0x53: {  	[sflag:s10] =	ssyncadd.s32 $0xFFFFD880  }
0x54: {  	_ =	sfence.sel $0x180000  }
0x55: {  	[bflag:$0x0] =	sbarrier.arrive $0xFFFF  }
0x56: {  	p0 =	sne.s32 s1, $0x0;
	_ =	strace $0x9000004A  }
0x57: {  	s0 =	sadd.s32 @!p0 $0x100000, s0;
	[bflag:$0x2] =	sbarrier.arrive $0xFFFF  }
0x58: {  	[sflag:s0] =	ssyncadd.tile.s32 @!p0 $0x1;
	_ =	shalt  }
.Lfunc_end2:
_tile_overlayer_lowered:
.L_overlay_start_2:
0x59: {  	(tag) =	ssettag $0x2  }
0x5a: {  	s0 =	rddreg [dreg:$0x0];
	s2 =	stileid.u32  }
0x5b: {  	s1 =	rddreg [dreg:$0x1];
	p0 =	sne.s32 s2, $0x0  }
0x5c: {  	s3 =	rddreg [dreg:$0x2];
	[bflag:$0x3] =	sbarrier.arrive $0xFFFF;
	s2 =	simm.s32 @!p0 $0x1C03  }
0x5d: {  	[timem:s3], [sflag:s2] =	dma.local @!p0 [hbm:s0], s1  }
0x5e: {  	s0 =	simm.s32 @!p0 $0x3  }
0x5f: {  	_ =	swait.ge @!p0 [sflag:s0], s1  }
0x60: {  	s1 =	ssub.s32 @!p0 $0x0, s1;
	[sflag:s0] =	ssyncset.done @!p0 $0x0  }
0x61: {  	[sflag:s0] =	ssyncadd.s32 @!p0 s1  }
0x62: {  	[bflag:$0x3] =	sbarrier.arrive $0xFFFF  }
0x63: {  	_ =	shalt  }

// kernel: kernel.14.cloned.1.call-start
scs
__scs_entry_jumppad:
0x0: {  	(pc) =	sbr.rel $0x88, $3  }
0x1: {  	(tag) =	ssettag $0x0;
	lr =	simm.s32 $0x1  }
0x2: {  	[smem:$0x3F9B] =	sst lr;
	_ =	strace $0xD0000000  }
0x3: {  	_ = 	snop  }
0x4: {  	_ = 	snop  }
0x5: {  	_ = 	snop  }
0x6: {  	_ = 	snop  }
0x7: {  	_ = 	snop  }
__scs_overlays_trampoline_lowered:
0x8: {  	[smem:$0x3FAA] =	sst s0  }
0x9: {  	[smem:$0x3FAB] =	sst s1  }
0xa: {  	[smem:$0x3FAC] =	sst s2  }
0xb: {  	[smem:$0x3FAD] =	sst s3  }
0xc: {  	[smem:$0x3FAE] =	sst s4  }
0xd: {  	[smem:$0x3FAF] =	sst s5  }
0xe: {  	[smem:$0x3FB0] =	sst s6  }
0xf: {  	[smem:$0x3FB1] =	sst s7  }
0x10: {  	[smem:$0x3FB2] =	sst s8  }
0x11: {  	[smem:$0x3FB3] =	sst s9;
	s0 =	simm.s32 @!p0 $0x0  }
0x12: {  	s1 =	sld [smem:$0x3F99];
	s0 =	simm.s32 @p0 $0x1  }
0x13: {  	[smem:$0x3FB4] =	sst s0;
	s0 =	simm.s32 @!p1 $0x0  }
0x14: {  	s2 =	sld [smem:$0x3F98];
	s0 =	simm.s32 @p1 $0x1  }
0x15: {  	[smem:$0x3FB5] =	sst s0;
	s0 =	simm.s32 @!p2 $0x0  }
0x16: {  	s3 =	sld [smem:$0x3FDB];
	s0 =	simm.s32 @p2 $0x1  }
0x17: {  	s4 =	simm.s32 $0x1BF5;
	[smem:$0x3FB7] =	sst s0  }
0x18: {  	s0 =	sld [smem:$0x3F9A];
	_ =	swait.ge [sflag:s4], $0x0  }
0x19: {  	s7 =	sld [smem:$0x3F9B]  }
0x1a: {  	s8 =	sadd.s32 $0xFFFFE003, lr  }
0x1b: {  	s9 =	sadd.s32 $0xFFFFFEF7, lr;
	s5 =	simm.s32 $0xFFFFFFFF;
	p2 =	slt.u32 s8, $0xFFFFF086  }
0x1c: {  	p1 =	slt.u32 s9, $0xF7A;
	s5 =	simm.s32 @!p2 $0x0  }
0x1d: {  	s5 =	simm.s32 @p1 $0x1;
	p0 =	seq.s32 s7, s2  }
0x1e: {  	s7 =	smul.u32 @!p0 $0xF7A, s2;
	p2 =	seq.s32 @!p0 s5, $0x0  }
0x1f: {  	s9 =	smul.u32 $0xF7A, s1;
	s8 =	simm.s32 @!p0 $0x1BF5;
	p2 =	por !p2, p0  }
0x20: {  	[sflag:s8] =	ssyncset.s32 @!p0 $0xFFFFF086;
	s6 =	sadd.s32 @!p0 s3, s7;
	s7 =	simm.s32 @!p0 $0x108  }
0x21: {  	s3 =	sadd.s32 s3, s9;
	s6 =	sadd.s32 @!p0 $0x88, s6;
	s7 =	simm.s32 @p2 $0x1082  }
0x22: {  	[simem:s7], [sflag:s8] =	dma.local @!p0 [hbm:s6], $0xF7A  }
0x23: {  	s9 =	sor.u32 $0xD0000000, s2;
	s6 =	simm.s32 $0x108;
	_ =	swait.ge @!p0 [sflag:s8], $0x0  }
0x24: {  	s3 =	sadd.s32 $0x88, s3;
	s6 =	simm.s32 @!p1 $0x1082;
	[sflag:s4] =	ssyncset.s32 $0xFFFFF086  }
0x25: {  	[simem:s6], [sflag:s4] =	dma.local [hbm:s3], $0xF7A  }
0x26: {  	[smem:$0x3F9B] =	sst s1;
	(tag) =	ssettag s2;
	_ =	strace s9  }
0x27: {  	s1 =	sld [smem:$0x3FAB]  }
0x28: {  	s2 =	sld [smem:$0x3FAC]  }
0x29: {  	s4 =	sld [smem:$0x3FAE]  }
0x2a: {  	p0 =	seq.s32 s5, $0x0;
	s5 =	sld [smem:$0x3FAF]  }
0x2b: {  	s6 =	sld [smem:$0x3FB0]  }
0x2c: {  	s7 =	sld [smem:$0x3FB1]  }
0x2d: {  	s3 =	simm.s32 $0x108;
	s8 =	sld [smem:$0x3FB2]  }
0x2e: {  	s3 =	simm.s32 @!p0 $0x1082;
	s9 =	sld [smem:$0x3FB3]  }
0x2f: {  	lr =	sadd.s32 s0, s3;
	s0 =	sld [smem:$0x3FAA]  }
0x30: {  	s3 =	sld [smem:$0x3FAD]  }
0x31: {  	[smem:$0x3FB6] =	sst s10  }
0x32: {  	s10 =	sld [smem:$0x3FB4];
	_ =	sdelay $0x3  }
0x33: {  	p0 =	seq.s32 s10, $0x1;
	s10 =	sld [smem:$0x3FB6];
	_ =	sdelay $0x3  }
0x34: {  	[smem:$0x3FB6] =	sst s10  }
0x35: {  	s10 =	sld [smem:$0x3FB5];
	_ =	sdelay $0x3  }
0x36: {  	p1 =	seq.s32 s10, $0x1;
	s10 =	sld [smem:$0x3FB6];
	_ =	sdelay $0x3  }
0x37: {  	[smem:$0x3FB6] =	sst s10  }
0x38: {  	s10 =	sld [smem:$0x3FB7]  }
0x39: {  	_ = 	snop;
	(pc) =	sbr.ind lr, $3  }
0x3a: {  	_ = 	snop  }
0x3b: {  	_ = 	snop  }
0x3c: {  	p2 =	seq.s32 s10, $0x1;
	s10 =	sld [smem:$0x3FB6]  }
0x3d: {  	_ =	shalt  }
0x3e: {  	_ =	shalt  }
0x3f: {  	_ =	shalt  }
0x40: {  	_ =	shalt  }
0x41: {  	_ =	shalt  }
0x42: {  	_ =	shalt  }
0x43: {  	_ =	shalt  }
0x44: {  	_ =	shalt  }
0x45: {  	_ =	shalt  }
0x46: {  	_ =	shalt  }
0x47: {  	_ =	shalt  }
0x48: {  	_ =	shalt  }
0x49: {  	_ =	shalt  }
0x4a: {  	_ =	shalt  }
0x4b: {  	_ =	shalt  }
0x4c: {  	_ =	shalt  }
0x4d: {  	_ =	shalt  }
0x4e: {  	_ =	shalt  }
0x4f: {  	_ =	shalt  }
0x50: {  	_ =	shalt  }
0x51: {  	_ =	shalt  }
0x52: {  	_ =	shalt  }
0x53: {  	_ =	shalt  }
0x54: {  	_ =	shalt  }
0x55: {  	_ =	shalt  }
0x56: {  	_ =	shalt  }
0x57: {  	_ =	shalt  }
0x58: {  	_ =	shalt  }
0x59: {  	_ =	shalt  }
0x5a: {  	_ =	shalt  }
0x5b: {  	_ =	shalt  }
0x5c: {  	_ =	shalt  }
0x5d: {  	_ =	shalt  }
0x5e: {  	_ =	shalt  }
0x5f: {  	_ =	shalt  }
0x60: {  	_ =	shalt  }
0x61: {  	_ =	shalt  }
0x62: {  	_ =	shalt  }
0x63: {  	_ =	shalt  }
0x64: {  	_ =	shalt  }
0x65: {  	_ =	shalt  }
0x66: {  	_ =	shalt  }
0x67: {  	_ =	shalt  }
0x68: {  	_ =	shalt  }
0x69: {  	_ =	shalt  }
0x6a: {  	_ =	shalt  }
0x6b: {  	_ =	shalt  }
0x6c: {  	_ =	shalt  }
0x6d: {  	_ =	shalt  }
0x6e: {  	_ =	shalt  }
0x6f: {  	_ =	shalt  }
0x70: {  	_ =	shalt  }
0x71: {  	_ =	shalt  }
0x72: {  	_ =	shalt  }
0x73: {  	_ =	shalt  }
0x74: {  	_ =	shalt  }
0x75: {  	_ =	shalt  }
0x76: {  	_ =	shalt  }
0x77: {  	_ =	shalt  }
0x78: {  	_ =	shalt  }
0x79: {  	_ =	shalt  }
0x7a: {  	_ =	shalt  }
0x7b: {  	_ =	shalt  }
0x7c: {  	_ =	shalt  }
0x7d: {  	_ =	shalt  }
0x7e: {  	_ =	shalt  }
0x7f: {  	_ =	shalt  }
0x80: {  	_ =	shalt  }
0x81: {  	_ =	shalt  }
0x82: {  	_ =	shalt  }
0x83: {  	_ =	shalt  }
0x84: {  	_ =	shalt  }
0x85: {  	_ =	shalt  }
0x86: {  	_ =	shalt  }
0x87: {  	_ =	shalt  }
.Lfunc_end0:
.L_simem_size_0:
called_computation.2_lowered:
.L_overlay_start_0:
0x88: {  	s2 =	sld [smem:$0x3FD9]  }
0x89: {  	s3 =	sld [smem:$0x3FFE];
	_ =	sdelay $0x1  }
0x8a: {  	s1 =	srdreg.scid  }
0x8b: {  	s0 =	sand.u32 $0x1, s1  }
0x8c: {  	s17 =	sshll.u32 s0, $0xA;
	s2 =	sadd.s32 s3, s2  }
0x8d: {  	s2 =	sadd.s32 s2, s17  }
0x8e: {  	[smem:$0x3FC2] =	sst s2  }
0x8f: {  	_ = 	snop  }
0x90: {  	s2 =	sld [smem:$0x3FD0];
	(tm) =	ssettm $0x1  }
0x91: {  	s18 =	sld [smem:$0x3FFB];
	_ =	sdelay $0x3  }
0x92: {  	_ =	strace s18  }
0x93: {  	s3 =	sld [smem:$0x3FFC];
	_ =	sdelay $0x3  }
0x94: {  	_ =	strace s3  }
0x95: {  	s3 =	sld [smem:$0x3FFD];
	_ =	sdelay $0x3  }
0x96: {  	_ =	strace s3  }
0x97: {  	_ =	strace $0x8FFFFFFF  }
0x98: {  	s19 =	sld [smem:$0x3FDB];
	_ =	sdelay $0x1  }
0x99: {  	s4 =	simm.s32 $_scs_section_size  }
0x9a: {  	s5 =	simm.s32 $_size__tile_overlayer_lowered;
	s6 =	simm.s32 $_tile_overlayer_lowered  }
0x9b: {  	s22 =	simm.s32 $0x1BFF;
	s21 =	sshll.u32 s6, $0x1;
	s3 =	sadd.s32 s4, s19  }
0x9c: {  	s7 =	simm.s32 $0x0;
	s20 =	sshll.u32 s5, $0x1;
	s5 =	sadd.s32 s21, s3  }
0x9d: {  	[timem:s7], [sflag:s22] =	dma.local [hbm:s5], s20  }
0x9e: {  	_ =	swait.ge [sflag:s22], s20  }
0x9f: {  	s4 =	ssub.s32 $0x0, s20;
	[sflag:s22] =	ssyncset.done $0x0  }
0xa0: {  	[sflag:s22] =	ssyncadd.s32 s4;
	_ =	sdelay $0x1  }
0xa1: {  	s23 =	simm.s32 $0x1B8B  }
0xa2: {  	_ =	swait.ge [sflag:s23], $0x1  }
0xa3: {  	[sflag:s23] =	ssyncset.done $0x0  }
0xa4: {  	s25 =	simm.s32 $0x1B8E;
	s24 =	sld [smem:$0x3FFE];
	[sflag:s23] =	ssyncadd.s32 $0xFFFFFFFF  }
0xa5: {  	s26 =	simm.s32 $execute0_lowered;
	[smem:$0x3FD2] =	sst s25  }
0xa6: {  	s5 =	sshll.u32 s26, $0x1;
	_ =	strace $0x8000004C;
	[dreg:$0x1] =	wrdreg $0xFFFFFFFF  }
0xa7: {  	s28 =	simm.s32 $_size_execute0_lowered;
	s3 =	sadd.s32 s3, s5;
	[dreg:$0x0] =	wrdreg $0x0  }
0xa8: {  	s5 =	sshll.u32 s28, $0x1;
	[dreg:$0x2] =	wrdreg s3  }
0xa9: {  	[dreg:$0x3] =	wrdreg s5  }
0xaa: {  	[dreg:$0x4] =	wrdreg $0xC0  }
0xab: {  	_ =	task [dreg:s7], $0x5FFFF  }
0xac: {  	[dreg:$0x1] =	wrdreg $0xFFFFFFFF  }
0xad: {  	[dreg:$0x0] =	wrdreg $0x60  }
0xae: {  	[dreg:$0x2] =	wrdreg s24  }
0xaf: {  	[dreg:$0x3] =	wrdreg s2  }
0xb0: {  	[dreg:$0x4] =	wrdreg $0x89800  }
0xb1: {  	[dreg:$0x5] =	wrdreg $0x9  }
0xb2: {  	_ =	task.clear_ibuf [dreg:s7], $0x6FFFF;
	_ =	strace $0x9000004C  }
0xb3: {  	s29 =	simm.s32 $0x9;
	_ =	strace $0x8000004E  }
0xb4: {  	_ =	swait.ge [sflag:s29], $0x1  }
0xb5: {  	[sflag:s29] =	ssyncadd.s32 $0xFFFFFFFF  }
0xb6: {  	_ =	strace $0x9000004E  }
0xb7: {  	_ =	sfence  }
0xb8: {  	s30 =	sld [smem:$0x0];
	_ =	sdelay $0x2  }
0xb9: {  	s31 =	sshll.u32 s1, $0xD;
	s1 =	sshrl.u32 s1, $0x2  }
0xba: {  	s3 =	sand.u32 $0x4000, s31;
	s1 =	sadd.s32 s1, s30  }
0xbb: {  	s0 =	sor.u32 s3, s0;
	s1 =	sshll.u32 s1, $0x11  }
0xbc: {  	s0 =	sor.u32 s1, s0  }
0xbd: {  	s0 =	sadd.s32 $0x8F2B, s0  }
0xbe: {  	[sflag:s0] =	ssyncadd.remote.s32 $0x1  }
0xbf: {  	_ =	sfence.sel $0xFFFF  }
0xc0: {  	[dreg:$0x0] =	wrdreg $0xFFFFFFFF;
	(pc) =	sbr.abs _section_cstart, $3  }
0xc1: {  	[dreg:$0x1] =	wrdreg $0xFFFFFFFF  }
0xc2: {  	_ =	task.clear_ibuf [dreg:s7], $0x2FFFF;
	_ =	strace $0x9FFFFFFF  }
0xc3: {  	(tm) =	ssettm $0x7FFFFFFF  }
tec
execute0_lowered:
.L_overlay_start_1:
0x0: {  	(tag) =	ssettag $0x1  }
0x1: {  	s5 =	rddreg [dreg:$0x0]  }
0x2: {  	s6 =	rddreg [dreg:$0x1]  }
0x3: {  	s2 =	rddreg [dreg:$0x2];
	s3 =	srdreg.scid  }
0x4: {  	s1 =	stileid.u32;
	s0 =	rddreg [dreg:$0x3];
	s13 =	simm.s32 $0x5200  }
0x5: {  	s14 =	simm.s32 $0x5A00;
	s15 =	simm.s32 $0x6200;
	s16 =	simm.s32 $0x1  }
0x6: {  	s17 =	simm.s32 $0x2;
	s18 =	simm.s32 $0x0;
	s7 =	sand.u32 $0x1, s3  }
0x7: {  	s8 =	smul.u32 $0x2780, s1;
	s3 =	simm.s32 $0x0;
	s4 =	sshll.u32 s7, $0x4  }
0x8: {  	s9 =	smul.u32 $0x27800, s7;
	[smem:$0x7FF] =	sst s3;
	s7 =	ssub.s32 $0x2, s7  }
0x9: {  	s4 =	sor.u32 s1, s4;
	_ =	strace $0x8000004D;
	s31 =	sshrl.u32 s7, $0x1  }
0xa: {  	s10 =	smul.u32 $0x520, s4;
	s9 =	sadd.s32 s8, s9;
	s4 =	sadd.s32 $0x1800, s5  }
0xb: {  	s12 =	ssub.s32 s7, s31;
	s7 =	sadd.s32 s8, s2;
	s9 =	sshrl.u32 s9, $0x3  }
0xc: {  	s11 =	sadd.s32 s10, s5;
	s9 =	sadd.s32 s9, s5;
	s5 =	sadd.s32 s6, s10  }
0xd: {  	s10 =	simm.s32 $0x3;
	s6 =	sadd.s32 $0x15800, s11;
	s8 =	sadd.s32 $0x6800, s9  }
0xe: {  	v0 =	vimm.f32 $0.0e+00;
	s9 =	smax.u32 s12, $0x1;
	s11 =	simm.s32 $0x2900;
	s12 =	simm.s32 $0x80  }
.LBB2_1:
0xf: {  	[tilespmem:s3], [sflag:$0x3] =	stream.linear.gather [hbm4b:s5+s3], $0x2900, $0x38;
	[tilespmem:$0xB100] =	vst v63  }
0x10: {  	_ =	swait.ge [sflag:s10], $0x2900  }
0x11: {  	[sflag:s10] =	ssyncset.done $0x0  }
0x12: {  	[sflag:s10] =	ssyncadd.s32 $0xFFFFD700  }
0x13: {  	[tilespmem:s11], [sflag:$0x3] =	stream.linear.gather [hbm4b:s6+s3], $0x2900, $0x38;
	[tilespmem:$0xB100] =	vst v63  }
0x14: {  	_ =	swait.ge [sflag:s10], $0x2900  }
0x15: {  	[sflag:s10] =	ssyncset.done $0x0  }
0x16: {  	[sflag:s10] =	ssyncadd.s32 $0xFFFFD700  }
0x17: {  	[tilespmem:s13], [sflag:$0x1] =	stream.indirect.gather [hbm4b:s4+s12], $0x10, s3, s12, $0xb8;
	[tilespmem:$0xB100] =	vst v63  }
0x18: {  	s19 =	simm.s32 $0x40;
	s20 =	simm.s32 $0x0  }
0x19: {  	[tilespmem:s14], [sflag:$0x2] =	stream.indirect.gather [hbm4b:s4+s12], $0x10, s12, s12, $0xb8;
	[tilespmem:$0xB100] =	vst v63  }
.LBB2_2:
0x1a: {  	p0 =	sne.s32 s19, $0x9DC0;
	[tilespmem:s20+$0x6200] =	vst v0;
	s20 =	smov.u32 s19;
	s19 =	sadd.s32 $0x40, s19  }
.Ltmp0:
0x1b: {  	(pc) =	sbr.rel @p0 .LBB2_2-.Ltmp0, $2  }
0x1c: {  	_ =	sdelay $0x2  }
0x1d: {  	s20 =	sshra.s32 s20, $0x2  }
0x1e: {  	[tilespmem:s20+$0x6200] =	vst v0  }
0x1f: {  	[spmem:s7] =	stream.linear.scatter [tilespmem:s15], [sflag:$0x3], $0x2780, $0x38;
	[tilespmem:$0xB100] =	vst v63  }
0x20: {  	_ =	swait.ge [sflag:s10], $0x2780  }
0x21: {  	[sflag:s10] =	ssyncset.done $0x0  }
0x22: {  	[sflag:s10] =	ssyncadd.s32 $0xFFFFD880  }
0x23: {  	[bflag:$0x0] =	sbarrier.arrive $0xFFFF  }
0x24: {  	_ =	swait.ge [sflag:s16], $0x800  }
0x25: {  	[sflag:s16] =	ssyncset.done $0x0  }
0x26: {  	s19 =	simm.s32 $0x2900;
	[sflag:s16] =	ssyncadd.s32 $0xFFFFF800  }
0x27: {  	[spmem:s2] =	stream.indirect.scatter.add.f32 [tilespmem:s13], [sflag:$0x3], $0x10, s19, s12, $0xb8;
	[tilespmem:$0xB100] =	vst v63  }
0x28: {  	_ =	swait.ge [sflag:s10], $0x800  }
0x29: {  	[sflag:s10] =	ssyncset.done $0x0  }
0x2a: {  	s30 =	simm.s32 $0x100;
	[sflag:s10] =	ssyncadd.s32 $0xFFFFF800  }
0x2b: {  	[tilespmem:s13], [sflag:$0x1] =	stream.indirect.gather [hbm4b:s4+s12], $0x10, s30, s12, $0xb8;
	[tilespmem:$0xB100] =	vst v63  }
0x2c: {  	_ =	swait.ge [sflag:s17], $0x800  }
0x2d: {  	[sflag:s17] =	ssyncset.done $0x0  }
0x2e: {  	s31 =	simm.s32 $0x2980;
	[sflag:s17] =	ssyncadd.s32 $0xFFFFF800  }
0x2f: {  	[spmem:s2] =	stream.indirect.scatter.add.f32 [tilespmem:s14], [sflag:$0x3], $0x10, s31, s12, $0xb8;
	[tilespmem:$0xB100] =	vst v63  }
0x30: {  	_ =	swait.ge [sflag:s10], $0x800  }
0x31: {  	[sflag:s10] =	ssyncset.done $0x0  }
0x32: {  	s20 =	simm.s32 $0x180;
	s19 =	simm.s32 $0x400;
	[sflag:s10] =	ssyncadd.s32 $0xFFFFF800  }
.LBB2_4:
0x33: {  	[tilespmem:s14], [sflag:$0x2] =	stream.indirect.gather [hbm4b:s4+s12], $0x10, s20, s12, $0xb8;
	[tilespmem:$0xB100] =	vst v63  }
0x34: {  	s20 =	smov.u32 s19  }
0x35: {  	p0 =	sne.s32 s19, $0x9C00;
	s19 =	sadd.s32 $0x400, s19;
	_ =	swait.ge [sflag:s16], $0x800  }
0x36: {  	s20 =	sshra.s32 s20, $0x2;
	[sflag:s16] =	ssyncset.done $0x0  }
0x37: {  	s21 =	sadd.s32 $0x2900, s20;
	[sflag:s16] =	ssyncadd.s32 $0xFFFFF800  }
0x38: {  	[spmem:s2] =	stream.indirect.scatter.add.f32 [tilespmem:s13], [sflag:$0x3], $0x10, s21, s12, $0xb8;
	[tilespmem:$0xB100] =	vst v63  }
0x39: {  	_ =	swait.ge [sflag:s10], $0x800  }
0x3a: {  	[sflag:s10] =	ssyncset.done $0x0  }
0x3b: {  	s21 =	sadd.s32 $0x100, s20;
	[sflag:s10] =	ssyncadd.s32 $0xFFFFF800  }
0x3c: {  	[tilespmem:s13], [sflag:$0x1] =	stream.indirect.gather [hbm4b:s4+s12], $0x10, s21, s12, $0xb8;
	[tilespmem:$0xB100] =	vst v63  }
0x3d: {  	_ =	swait.ge [sflag:s17], $0x800  }
0x3e: {  	[sflag:s17] =	ssyncset.done $0x0  }
.Ltmp1:
0x3f: {  	s21 =	sadd.s32 $0x2980, s20;
	[sflag:s17] =	ssyncadd.s32 $0xFFFFF800;
	(pc) =	sbr.rel @p0 .LBB2_4-.Ltmp1, $4  }
0x40: {  	[spmem:s2] =	stream.indirect.scatter.add.f32 [tilespmem:s14], [sflag:$0x3], $0x10, s21, s12, $0xb8;
	[tilespmem:$0xB100] =	vst v63  }
0x41: {  	_ =	swait.ge [sflag:s10], $0x800  }
0x42: {  	[sflag:s10] =	ssyncset.done $0x0  }
0x43: {  	s20 =	sadd.s32 $0x180, s20;
	[sflag:s10] =	ssyncadd.s32 $0xFFFFF800  }
0x44: {  	[tilespmem:s14], [sflag:$0x2] =	stream.indirect.gather [hbm4b:s4+s12], $0x10, s20, s12, $0xb8;
	[tilespmem:$0xB100] =	vst v63  }
0x45: {  	_ =	swait.ge [sflag:s16], $0x800  }
0x46: {  	[sflag:s16] =	ssyncset.done $0x0  }
0x47: {  	[sflag:s16] =	ssyncadd.s32 $0xFFFFF800  }
0x48: {  	_ =	swait.ge [sflag:s17], $0x800  }
0x49: {  	[sflag:s17] =	ssyncset.done $0x0  }
0x4a: {  	[sflag:s17] =	ssyncadd.s32 $0xFFFFF800  }
0x4b: {  	[bflag:$0x0] =	sbarrier.arrive $0xFFFF  }
0x4c: {  	[tilespmem:s15], [sflag:$0x3] =	stream.linear.gather [spmem:s7], $0x2780, $0x38;
	[tilespmem:$0xB100] =	vst v63  }
0x4d: {  	s18 =	sadd.s32 $0x1, s18;
	_ =	swait.ge [sflag:s10], $0x2780  }
0x4e: {  	p0 =	sne.s32 s18, s9;
	[sflag:s10] =	ssyncset.done $0x0  }
.Ltmp2:
0x4f: {  	[sflag:s10] =	ssyncadd.s32 $0xFFFFD880;
	(pc) =	sbr.rel @p0 .LBB2_1-.Ltmp2, $4  }
0x50: {  	[hbm4b:s8+s3] =	stream.linear.scatter [tilespmem:s15], [sflag:$0x3], $0x2780, $0x38;
	[tilespmem:$0xB100] =	vst v63  }
0x51: {  	_ =	swait.ge [sflag:s10], $0x2780  }
0x52: {  	[sflag:s10] =	ssyncset.done $0x0  }
0x53: {  	[sflag:s10] =	ssyncadd.s32 $0xFFFFD880  }
0x54: {  	_ =	sfence.sel $0x180000  }
0x55: {  	[bflag:$0x0] =	sbarrier.arrive $0xFFFF  }
0x56: {  	p0 =	sne.s32 s1, $0x0;
	_ =	strace $0x9000004D  }
0x57: {  	s0 =	sadd.s32 @!p0 $0x100000, s0;
	[bflag:$0x2] =	sbarrier.arrive $0xFFFF  }
0x58: {  	[sflag:s0] =	ssyncadd.tile.s32 @!p0 $0x1;
	_ =	shalt  }
.Lfunc_end2:
_tile_overlayer_lowered:
.L_overlay_start_2:
0x59: {  	(tag) =	ssettag $0x2  }
0x5a: {  	s0 =	rddreg [dreg:$0x0];
	s2 =	stileid.u32  }
0x5b: {  	s1 =	rddreg [dreg:$0x1];
	p0 =	sne.s32 s2, $0x0  }
0x5c: {  	s3 =	rddreg [dreg:$0x2];
	[bflag:$0x3] =	sbarrier.arrive $0xFFFF;
	s2 =	simm.s32 @!p0 $0x1C03  }
0x5d: {  	[timem:s3], [sflag:s2] =	dma.local @!p0 [hbm:s0], s1  }
0x5e: {  	s0 =	simm.s32 @!p0 $0x3  }
0x5f: {  	_ =	swait.ge @!p0 [sflag:s0], s1  }
0x60: {  	s1 =	ssub.s32 @!p0 $0x0, s1;
	[sflag:s0] =	ssyncset.done @!p0 $0x0  }
0x61: {  	[sflag:s0] =	ssyncadd.s32 @!p0 s1  }
0x62: {  	[bflag:$0x3] =	sbarrier.arrive $0xFFFF  }
0x63: {  	_ =	shalt  }

// kernel: kernel.8.cloned.1.call-start
scs
__scs_entry_jumppad:
0x0: {  	(pc) =	sbr.rel $0x88, $3  }
0x1: {  	(tag) =	ssettag $0x0;
	lr =	simm.s32 $0x1  }
0x2: {  	[smem:$0x3F9B] =	sst lr;
	_ =	strace $0xD0000000  }
0x3: {  	_ = 	snop  }
0x4: {  	_ = 	snop  }
0x5: {  	_ = 	snop  }
0x6: {  	_ = 	snop  }
0x7: {  	_ = 	snop  }
__scs_overlays_trampoline_lowered:
0x8: {  	[smem:$0x3FAA] =	sst s0  }
0x9: {  	[smem:$0x3FAB] =	sst s1  }
0xa: {  	[smem:$0x3FAC] =	sst s2  }
0xb: {  	[smem:$0x3FAD] =	sst s3  }
0xc: {  	[smem:$0x3FAE] =	sst s4  }
0xd: {  	[smem:$0x3FAF] =	sst s5  }
0xe: {  	[smem:$0x3FB0] =	sst s6  }
0xf: {  	[smem:$0x3FB1] =	sst s7  }
0x10: {  	[smem:$0x3FB2] =	sst s8  }
0x11: {  	[smem:$0x3FB3] =	sst s9;
	s0 =	simm.s32 @!p0 $0x0  }
0x12: {  	s1 =	sld [smem:$0x3F99];
	s0 =	simm.s32 @p0 $0x1  }
0x13: {  	[smem:$0x3FB4] =	sst s0;
	s0 =	simm.s32 @!p1 $0x0  }
0x14: {  	s2 =	sld [smem:$0x3F98];
	s0 =	simm.s32 @p1 $0x1  }
0x15: {  	[smem:$0x3FB5] =	sst s0;
	s0 =	simm.s32 @!p2 $0x0  }
0x16: {  	s3 =	sld [smem:$0x3FDB];
	s0 =	simm.s32 @p2 $0x1  }
0x17: {  	s4 =	simm.s32 $0x1BF5;
	[smem:$0x3FB7] =	sst s0  }
0x18: {  	s0 =	sld [smem:$0x3F9A];
	_ =	swait.ge [sflag:s4], $0x0  }
0x19: {  	s7 =	sld [smem:$0x3F9B]  }
0x1a: {  	s8 =	sadd.s32 $0xFFFFE003, lr  }
0x1b: {  	s9 =	sadd.s32 $0xFFFFFEF7, lr;
	s5 =	simm.s32 $0xFFFFFFFF;
	p2 =	slt.u32 s8, $0xFFFFF086  }
0x1c: {  	p1 =	slt.u32 s9, $0xF7A;
	s5 =	simm.s32 @!p2 $0x0  }
0x1d: {  	s5 =	simm.s32 @p1 $0x1;
	p0 =	seq.s32 s7, s2  }
0x1e: {  	s7 =	smul.u32 @!p0 $0xF7A, s2;
	p2 =	seq.s32 @!p0 s5, $0x0  }
0x1f: {  	s9 =	smul.u32 $0xF7A, s1;
	s8 =	simm.s32 @!p0 $0x1BF5;
	p2 =	por !p2, p0  }
0x20: {  	[sflag:s8] =	ssyncset.s32 @!p0 $0xFFFFF086;
	s6 =	sadd.s32 @!p0 s3, s7;
	s7 =	simm.s32 @!p0 $0x108  }
0x21: {  	s3 =	sadd.s32 s3, s9;
	s6 =	sadd.s32 @!p0 $0x88, s6;
	s7 =	simm.s32 @p2 $0x1082  }
0x22: {  	[simem:s7], [sflag:s8] =	dma.local @!p0 [hbm:s6], $0xF7A  }
0x23: {  	s9 =	sor.u32 $0xD0000000, s2;
	s6 =	simm.s32 $0x108;
	_ =	swait.ge @!p0 [sflag:s8], $0x0  }
0x24: {  	s3 =	sadd.s32 $0x88, s3;
	s6 =	simm.s32 @!p1 $0x1082;
	[sflag:s4] =	ssyncset.s32 $0xFFFFF086  }
0x25: {  	[simem:s6], [sflag:s4] =	dma.local [hbm:s3], $0xF7A  }
0x26: {  	[smem:$0x3F9B] =	sst s1;
	(tag) =	ssettag s2;
	_ =	strace s9  }
0x27: {  	s1 =	sld [smem:$0x3FAB]  }
0x28: {  	s2 =	sld [smem:$0x3FAC]  }
0x29: {  	s4 =	sld [smem:$0x3FAE]  }
0x2a: {  	p0 =	seq.s32 s5, $0x0;
	s5 =	sld [smem:$0x3FAF]  }
0x2b: {  	s6 =	sld [smem:$0x3FB0]  }
0x2c: {  	s7 =	sld [smem:$0x3FB1]  }
0x2d: {  	s3 =	simm.s32 $0x108;
	s8 =	sld [smem:$0x3FB2]  }
0x2e: {  	s3 =	simm.s32 @!p0 $0x1082;
	s9 =	sld [smem:$0x3FB3]  }
0x2f: {  	lr =	sadd.s32 s0, s3;
	s0 =	sld [smem:$0x3FAA]  }
0x30: {  	s3 =	sld [smem:$0x3FAD]  }
0x31: {  	[smem:$0x3FB6] =	sst s10  }
0x32: {  	s10 =	sld [smem:$0x3FB4];
	_ =	sdelay $0x3  }
0x33: {  	p0 =	seq.s32 s10, $0x1;
	s10 =	sld [smem:$0x3FB6];
	_ =	sdelay $0x3  }
0x34: {  	[smem:$0x3FB6] =	sst s10  }
0x35: {  	s10 =	sld [smem:$0x3FB5];
	_ =	sdelay $0x3  }
0x36: {  	p1 =	seq.s32 s10, $0x1;
	s10 =	sld [smem:$0x3FB6];
	_ =	sdelay $0x3  }
0x37: {  	[smem:$0x3FB6] =	sst s10  }
0x38: {  	s10 =	sld [smem:$0x3FB7]  }
0x39: {  	_ = 	snop;
	(pc) =	sbr.ind lr, $3  }
0x3a: {  	_ = 	snop  }
0x3b: {  	_ = 	snop  }
0x3c: {  	p2 =	seq.s32 s10, $0x1;
	s10 =	sld [smem:$0x3FB6]  }
0x3d: {  	_ =	shalt  }
0x3e: {  	_ =	shalt  }
0x3f: {  	_ =	shalt  }
0x40: {  	_ =	shalt  }
0x41: {  	_ =	shalt  }
0x42: {  	_ =	shalt  }
0x43: {  	_ =	shalt  }
0x44: {  	_ =	shalt  }
0x45: {  	_ =	shalt  }
0x46: {  	_ =	shalt  }
0x47: {  	_ =	shalt  }
0x48: {  	_ =	shalt  }
0x49: {  	_ =	shalt  }
0x4a: {  	_ =	shalt  }
0x4b: {  	_ =	shalt  }
0x4c: {  	_ =	shalt  }
0x4d: {  	_ =	shalt  }
0x4e: {  	_ =	shalt  }
0x4f: {  	_ =	shalt  }
0x50: {  	_ =	shalt  }
0x51: {  	_ =	shalt  }
0x52: {  	_ =	shalt  }
0x53: {  	_ =	shalt  }
0x54: {  	_ =	shalt  }
0x55: {  	_ =	shalt  }
0x56: {  	_ =	shalt  }
0x57: {  	_ =	shalt  }
0x58: {  	_ =	shalt  }
0x59: {  	_ =	shalt  }
0x5a: {  	_ =	shalt  }
0x5b: {  	_ =	shalt  }
0x5c: {  	_ =	shalt  }
0x5d: {  	_ =	shalt  }
0x5e: {  	_ =	shalt  }
0x5f: {  	_ =	shalt  }
0x60: {  	_ =	shalt  }
0x61: {  	_ =	shalt  }
0x62: {  	_ =	shalt  }
0x63: {  	_ =	shalt  }
0x64: {  	_ =	shalt  }
0x65: {  	_ =	shalt  }
0x66: {  	_ =	shalt  }
0x67: {  	_ =	shalt  }
0x68: {  	_ =	shalt  }
0x69: {  	_ =	shalt  }
0x6a: {  	_ =	shalt  }
0x6b: {  	_ =	shalt  }
0x6c: {  	_ =	shalt  }
0x6d: {  	_ =	shalt  }
0x6e: {  	_ =	shalt  }
0x6f: {  	_ =	shalt  }
0x70: {  	_ =	shalt  }
0x71: {  	_ =	shalt  }
0x72: {  	_ =	shalt  }
0x73: {  	_ =	shalt  }
0x74: {  	_ =	shalt  }
0x75: {  	_ =	shalt  }
0x76: {  	_ =	shalt  }
0x77: {  	_ =	shalt  }
0x78: {  	_ =	shalt  }
0x79: {  	_ =	shalt  }
0x7a: {  	_ =	shalt  }
0x7b: {  	_ =	shalt  }
0x7c: {  	_ =	shalt  }
0x7d: {  	_ =	shalt  }
0x7e: {  	_ =	shalt  }
0x7f: {  	_ =	shalt  }
0x80: {  	_ =	shalt  }
0x81: {  	_ =	shalt  }
0x82: {  	_ =	shalt  }
0x83: {  	_ =	shalt  }
0x84: {  	_ =	shalt  }
0x85: {  	_ =	shalt  }
0x86: {  	_ =	shalt  }
0x87: {  	_ =	shalt  }
.Lfunc_end0:
.L_simem_size_0:
called_computation_lowered:
.L_overlay_start_0:
0x88: {  	s2 =	sld [smem:$0x3FD9]  }
0x89: {  	s3 =	sld [smem:$0x3FFE];
	_ =	sdelay $0x1  }
0x8a: {  	s1 =	srdreg.scid  }
0x8b: {  	s0 =	sand.u32 $0x1, s1  }
0x8c: {  	s16 =	sshll.u32 s0, $0xA;
	s2 =	sadd.s32 s3, s2  }
0x8d: {  	s2 =	sadd.s32 s2, s16  }
0x8e: {  	[smem:$0x3FC2] =	sst s2  }
0x8f: {  	_ = 	snop  }
0x90: {  	(tm) =	ssettm $0x1  }
0x91: {  	s17 =	sld [smem:$0x3FFB];
	_ =	sdelay $0x3  }
0x92: {  	_ =	strace s17  }
0x93: {  	s2 =	sld [smem:$0x3FFC];
	_ =	sdelay $0x3  }
0x94: {  	_ =	strace s2  }
0x95: {  	s2 =	sld [smem:$0x3FFD];
	_ =	sdelay $0x3  }
0x96: {  	_ =	strace s2  }
0x97: {  	_ =	strace $0x8FFFFFFF  }
0x98: {  	s18 =	sld [smem:$0x3FDB];
	_ =	sdelay $0x1  }
0x99: {  	s19 =	simm.s32 $_scs_section_size  }
0x9a: {  	s4 =	simm.s32 $_size__tile_overlayer_lowered;
	s5 =	simm.s32 $_tile_overlayer_lowered  }
0x9b: {  	s22 =	simm.s32 $0x1BFF;
	s21 =	sshll.u32 s5, $0x1;
	s2 =	sadd.s32 s19, s18  }
0x9c: {  	s6 =	simm.s32 $0x0;
	s20 =	sshll.u32 s4, $0x1;
	s4 =	sadd.s32 s21, s2  }
0x9d: {  	[timem:s6], [sflag:s22] =	dma.local [hbm:s4], s20  }
0x9e: {  	_ =	swait.ge [sflag:s22], s20  }
0x9f: {  	s3 =	ssub.s32 $0x0, s20;
	[sflag:s22] =	ssyncset.done $0x0  }
0xa0: {  	[sflag:s22] =	ssyncadd.s32 s3;
	_ =	sdelay $0x1  }
0xa1: {  	s23 =	simm.s32 $0x1B8B  }
0xa2: {  	_ =	swait.ge [sflag:s23], $0x1  }
0xa3: {  	[sflag:s23] =	ssyncset.done $0x0  }
0xa4: {  	s25 =	simm.s32 $0x1B8E;
	s24 =	sld [smem:$0x3FFE];
	[sflag:s23] =	ssyncadd.s32 $0xFFFFFFFF  }
0xa5: {  	s26 =	simm.s32 $execute0_lowered;
	[smem:$0x3FD2] =	sst s25  }
0xa6: {  	s4 =	sshll.u32 s26, $0x1;
	_ =	strace $0x80000046;
	[dreg:$0x1] =	wrdreg $0xFFFFFFFF  }
0xa7: {  	s28 =	simm.s32 $_size_execute0_lowered;
	s2 =	sadd.s32 s2, s4;
	[dreg:$0x0] =	wrdreg $0x0  }
0xa8: {  	s4 =	sshll.u32 s28, $0x1;
	[dreg:$0x2] =	wrdreg s2  }
0xa9: {  	[dreg:$0x3] =	wrdreg s4  }
0xaa: {  	[dreg:$0x4] =	wrdreg $0xC0  }
0xab: {  	_ =	task [dreg:s6], $0x5FFFF  }
0xac: {  	[dreg:$0x1] =	wrdreg $0xFFFFFFFF  }
0xad: {  	[dreg:$0x0] =	wrdreg $0x60  }
0xae: {  	[dreg:$0x2] =	wrdreg s24  }
0xaf: {  	[dreg:$0x3] =	wrdreg $0x9  }
0xb0: {  	_ =	task.clear_ibuf [dreg:s6], $0x4FFFF;
	_ =	strace $0x90000046  }
0xb1: {  	s29 =	simm.s32 $0x9;
	_ =	strace $0x80000048  }
0xb2: {  	_ =	swait.ge [sflag:s29], $0x1  }
0xb3: {  	[sflag:s29] =	ssyncadd.s32 $0xFFFFFFFF  }
0xb4: {  	_ =	strace $0x90000048  }
0xb5: {  	_ =	sfence  }
0xb6: {  	s30 =	sld [smem:$0x0];
	_ =	sdelay $0x2  }
0xb7: {  	s31 =	sshll.u32 s1, $0xD;
	s1 =	sshrl.u32 s1, $0x2  }
0xb8: {  	s3 =	sand.u32 $0x4000, s31;
	s1 =	sadd.s32 s1, s30  }
0xb9: {  	s0 =	sor.u32 s3, s0;
	s1 =	sshll.u32 s1, $0x11  }
0xba: {  	s0 =	sor.u32 s1, s0  }
0xbb: {  	s0 =	sadd.s32 $0x8F2B, s0  }
0xbc: {  	[sflag:s0] =	ssyncadd.remote.s32 $0x1  }
0xbd: {  	_ =	sfence.sel $0xFFFF  }
0xbe: {  	[dreg:$0x0] =	wrdreg $0xFFFFFFFF;
	(pc) =	sbr.abs _section_cstart, $3  }
0xbf: {  	[dreg:$0x1] =	wrdreg $0xFFFFFFFF  }
0xc0: {  	_ =	task.clear_ibuf [dreg:s6], $0x2FFFF;
	_ =	strace $0x9FFFFFFF  }
0xc1: {  	(tm) =	ssettm $0x7FFFFFFF  }
tec
execute0_lowered:
.L_overlay_start_1:
0x0: {  	(tag) =	ssettag $0x1  }
0x1: {  	s0 =	srdreg.scid  }
0x2: {  	s4 =	rddreg [dreg:$0x0];
	s3 =	sand.u32 $0x1, s0  }
0x3: {  	s1 =	stileid.u32;
	s7 =	simm.s32 $0x2800;
	s2 =	sshll.u32 s3, $0x4  }
0x4: {  	s0 =	rddreg [dreg:$0x1];
	s3 =	ssub.s32 $0x2, s3;
	s5 =	sor.u32 s1, s2  }
0x5: {  	s2 =	simm.s32 $0x0;
	s6 =	sshrl.u32 s3, $0x1;
	s5 =	smul.u32 $0x500, s5  }
0x6: {  	s8 =	simm.s32 $0x0;
	[smem:$0x7FF] =	sst s2;
	s31 =	ssub.s32 s3, s6  }
0x7: {  	s6 =	simm.s32 $0x1;
	_ =	strace $0x80000047;
	s4 =	sadd.s32 s5, s4  }
0x8: {  	v0 =	vimm.f32 $0.0e+00;
	v1 =	vimm.f32 $1.000000000e+00;
	s5 =	smax.u32 s31, $0x1;
	s3 =	sadd.s32 $0x1800, s4;
	s4 =	sadd.s32 $0xB800, s4  }
.LBB2_1:
0x9: {  	[tilespmem:s2], [sflag:$0x1] =	stream.linear.gather [hbm4b:s3+s2], $0x2800, $0x38;
	[tilespmem:$0x5000] =	vst v63  }
0xa: {  	_ =	swait.ge [sflag:s6], $0x2800  }
0xb: {  	[sflag:s6] =	ssyncset.done $0x0  }
0xc: {  	s9 =	simm.s32 $0x0;
	[sflag:s6] =	ssyncadd.s32 $0xFFFFD800  }
.LBB2_2:
0xd: {  	p0 =	sne.s32 s9, $0x9FC0  }
.Ltmp0:
0xe: {  	_ = 	snop;
	(pc) =	sbr.rel @p0 .LBB2_2-.Ltmp0, $3  }
0xf: {  	_ =	sdelay $0x1  }
0x10: {  	s10 =	sshra.s32 s9, $0x2  }
0x11: {  	s9 =	sadd.s32 $0x40, s9;
	[tilespmem:s10+$0x2800] =	vst v0  }
0x12: {  	s10 =	simm.s32 $0x0;
	s9 =	simm.s32 $0x40  }
.LBB2_4:
0x13: {  	p0 =	sne.s32 s9, $0x9FC0;
	v2 =	vld [tilespmem:s10+$0x0];
	_ =	sdelay $0x3  }
.Ltmp1:
0x14: {  	(pc) =	sbr.rel @p0 .LBB2_4-.Ltmp1, $2  }
0x15: {  	_ =	sdelay $0x2  }
0x16: {  	s10 =	sshra.s32 s9, $0x2;
	s9 =	sadd.s32 $0x40, s9;
	[tilespmem:v2+s7+$0x0] =	vst.idx.add.f32.msk $0xffff, v1  }
0x17: {  	v2 =	vld [tilespmem:s10+$0x0];
	_ =	sdelay $0x5  }
0x18: {  	s8 =	sadd.s32 $0x1, s8  }
0x19: {  	p0 =	sne.s32 s8, s5  }
.Ltmp2:
0x1a: {  	[tilespmem:v2+s7+$0x0] =	vst.idx.add.f32.msk $0xffff, v1;
	(pc) =	sbr.rel @p0 .LBB2_1-.Ltmp2, $4  }
0x1b: {  	[hbm4b:s4+s2] =	stream.linear.scatter [tilespmem:s7], [sflag:$0x1], $0x2800, $0x38;
	[tilespmem:$0x5000] =	vst v63  }
0x1c: {  	_ =	swait.ge [sflag:s6], $0x2800  }
0x1d: {  	[sflag:s6] =	ssyncset.done $0x0  }
0x1e: {  	[sflag:s6] =	ssyncadd.s32 $0xFFFFD800  }
0x1f: {  	_ =	sfence.sel $0x180000  }
0x20: {  	[bflag:$0x0] =	sbarrier.arrive $0xFFFF  }
0x21: {  	p0 =	sne.s32 s1, $0x0;
	_ =	strace $0x90000047  }
0x22: {  	s0 =	sadd.s32 @!p0 $0x100000, s0;
	[bflag:$0x2] =	sbarrier.arrive $0xFFFF  }
0x23: {  	[sflag:s0] =	ssyncadd.tile.s32 @!p0 $0x1;
	_ =	shalt  }
.Lfunc_end2:
_tile_overlayer_lowered:
.L_overlay_start_2:
0x24: {  	(tag) =	ssettag $0x2  }
0x25: {  	s0 =	rddreg [dreg:$0x0];
	s2 =	stileid.u32  }
0x26: {  	s1 =	rddreg [dreg:$0x1];
	p0 =	sne.s32 s2, $0x0  }
0x27: {  	s3 =	rddreg [dreg:$0x2];
	[bflag:$0x3] =	sbarrier.arrive $0xFFFF;
	s2 =	simm.s32 @!p0 $0x1C01  }
0x28: {  	[timem:s3], [sflag:s2] =	dma.local @!p0 [hbm:s0], s1  }
0x29: {  	s0 =	simm.s32 @!p0 $0x1  }
0x2a: {  	_ =	swait.ge @!p0 [sflag:s0], s1  }
0x2b: {  	s1 =	ssub.s32 @!p0 $0x0, s1;
	[sflag:s0] =	ssyncset.done @!p0 $0x0  }
0x2c: {  	[sflag:s0] =	ssyncadd.s32 @!p0 s1  }
0x2d: {  	[bflag:$0x3] =	sbarrier.arrive $0xFFFF  }
0x2e: {  	_ =	shalt  }

</sc_bundles>
